<compile_context>
chip_gen: v7x
topology: tpu7x:2x2x1
jax: 0.10.2.dev20260603
libtpu: 0.0.44.dev20260713+nightly
codegen_flags: <defaults>
</compile_context>

<pallas_src>
import dataclasses
import functools

import jax
import jax.numpy as jnp
from jax import lax
from jax.experimental import pallas as pl
from jax.experimental.pallas import tpu as pltpu
from jax.experimental.pallas import tpu_sc as plsc

N = 10000
E = 320000
D = 128
H = 16
C = 10

NC, NS = 2, 16
NW = NC * NS
L = 16

EDGES_A = 9984
TAIL = E - NW * EDGES_A
TAIL_BASE = NW * EDGES_A
GRP_T = TAIL // L

FG = 4
FPT = H // FG
NSH = NW // FG
EDGES_SH = 39936
CHUNK = 1536
NCHUNK = EDGES_SH // CHUNK
GRP = CHUNK // L

_mesh = plsc.VectorSubcoreMesh(core_axis_name="c", subcore_axis_name="s")
_cp = pltpu.CompilerParams()
if "needs_layout_passes" in pltpu.CompilerParams.__dataclass_fields__:
    _cp = dataclasses.replace(_cp, needs_layout_passes=False)


@functools.partial(
    pl.kernel,
    out_type=jax.ShapeDtypeStruct((NW, N), jnp.float32),
    mesh=_mesh,
    scratch_types=[
        pltpu.VMEM((2, EDGES_A), jnp.int32),
        pltpu.VMEM((2, TAIL), jnp.int32),
        pltpu.VMEM((N,), jnp.float32),
        pltpu.SemaphoreType.DMA,
    ],
    compiler_params=_cp,
)
def _sc_degree(edge_hbm, deg_hbm, ei_v, tail_v, deg_v, sem):
    wid = lax.axis_index("s") * NC + lax.axis_index("c")
    cp = pltpu.make_async_copy(
        edge_hbm.at[pl.ds(0, 2), pl.ds(wid * EDGES_A, EDGES_A)], ei_v, sem)
    cp.start()

    zeros = jnp.zeros((L,), jnp.float32)

    @pl.loop(0, N // L, unroll=8)
    def _zero(i):
        deg_v[pl.ds(i * L, L)] = zeros

    cp.wait()

    ones = jnp.ones((L,), jnp.float32)

    @plsc.parallel_loop(0, EDGES_A // L, unroll=8)
    def _hist(i):
        idx = ei_v[1, pl.ds(i * L, L)]
        plsc.addupdate_scatter(deg_v, [idx], ones)

    @pl.when(wid == 0)
    def _tail():
        pltpu.sync_copy(
            edge_hbm.at[pl.ds(0, 2), pl.ds(TAIL_BASE, TAIL)], tail_v)

        @pl.loop(0, GRP_T)
        def _hist_t(i):
            idx = tail_v[1, pl.ds(i * L, L)]
            plsc.addupdate_scatter(deg_v, [idx], ones)

    pltpu.sync_copy(deg_v, deg_hbm.at[wid])


def _tc_matmul_body(x_ref, w1_ref, xw_ref):
    xw_ref[...] = jnp.dot(x_ref[...], w1_ref[...],
                          preferred_element_type=jnp.float32)


_tc_matmul = pl.pallas_call(
    _tc_matmul_body,
    out_shape=jax.ShapeDtypeStruct((N, H), jnp.float32),
)


def _tc_scale_body(degp_ref, xw_ref, dis_ref, xw2t_ref, xwp_ref):
    deg = jnp.sum(degp_ref[...], axis=0, keepdims=True) + 1.0
    dis = lax.rsqrt(deg)
    dis_ref[...] = dis
    xw2t = dis * xw_ref[...].T
    xw2t_ref[...] = xw2t
    lo = lax.bitcast_convert_type(
        lax.convert_element_type(xw2t[0:H // 2], jnp.bfloat16), jnp.uint16)
    hi = lax.bitcast_convert_type(
        lax.convert_element_type(xw2t[H // 2:], jnp.bfloat16), jnp.uint16)
    packed = (hi.astype(jnp.uint32) << 16) | lo.astype(jnp.uint32)
    xwp_ref[...] = lax.bitcast_convert_type(packed, jnp.int32)


_tc_scale = pl.pallas_call(
    _tc_scale_body,
    out_shape=[
        jax.ShapeDtypeStruct((1, N), jnp.float32),
        jax.ShapeDtypeStruct((H, N), jnp.float32),
        jax.ShapeDtypeStruct((H // 2, N), jnp.int32),
    ],
)


@functools.partial(
    pl.kernel,
    out_type=[
        jax.ShapeDtypeStruct((NSH, H, N), jnp.float32),
        jax.ShapeDtypeStruct((NW, N), jnp.float32),
    ],
    mesh=_mesh,
    scratch_types=[
        pltpu.VMEM((N,), jnp.float32),
        *[pltpu.VMEM((N,), jnp.int32) for _ in range(FPT // 2)],
        *[pltpu.VMEM((N,), jnp.float32) for _ in range(FPT)],
        pltpu.VMEM((N,), jnp.float32),
        pltpu.VMEM((2, CHUNK), jnp.int32),
        pltpu.VMEM((2, CHUNK), jnp.int32),
        pltpu.VMEM((2, TAIL), jnp.int32),
        pltpu.SemaphoreType.DMA,
        pltpu.SemaphoreType.DMA,
        pltpu.SemaphoreType.DMA,
    ],
    compiler_params=_cp,
)
def _sc_edges(edge_hbm, dis_hbm, xwp_hbm, out_hbm, s_hbm,
              dis_v, xwp0, xwp1, ac0, ac1, ac2, ac3,
              s_v, eiA, eiB, tail_v, semA, semB, semC):
    xwp_cols = (xwp0, xwp1)
    acc_cols = (ac0, ac1, ac2, ac3)
    wid = lax.axis_index("s") * NC + lax.axis_index("c")
    fg = wid % FG
    sh = wid // FG
    ebase = sh * EDGES_SH

    def start(c, buf, sem):
        pltpu.async_copy(
            edge_hbm.at[pl.ds(0, 2), pl.ds(ebase + c * CHUNK, CHUNK)], buf, sem)

    def drain(buf, sem):
        pltpu.make_async_copy(
            edge_hbm.at[pl.ds(0, 2), pl.ds(0, CHUNK)], buf, sem).wait()

    start(0, eiA, semA)

    stage = [pltpu.make_async_copy(dis_hbm, dis_v, semC)]
    for j in range(FPT // 2):
        stage.append(pltpu.make_async_copy(
            xwp_hbm.at[fg * 2 + j], xwp_cols[j], semC))
    for cp in stage:
        cp.start()

    zeros = jnp.zeros((L,), jnp.float32)

    @pl.loop(0, N // L, unroll=8)
    def _zero(i):
        s_v[pl.ds(i * L, L)] = zeros
        for f in range(FPT):
            acc_cols[f][pl.ds(i * L, L)] = zeros

    for cp in stage:
        cp.wait()

    mask_s = jnp.broadcast_to(fg == 0, (L,))

    def process(buf, ngrp=GRP):
        @plsc.parallel_loop(0, ngrp, unroll=4)
        def _grp(i):
            s16 = buf[0, pl.ds(i * L, L)]
            d16 = buf[1, pl.ds(i * L, L)]
            b = plsc.load_gather(dis_v, [d16])
            for j in range(FPT // 2):
                gp = plsc.load_gather(xwp_cols[j], [s16])
                g0, g1 = plsc.unpack(
                    plsc.bitcast(gp, jnp.bfloat16),
                    format=plsc.PackFormat.INTERLEAVED,
                    preferred_element_type=jnp.float32)
                plsc.addupdate_scatter(acc_cols[2 * j], [d16], g0 * b)
                plsc.addupdate_scatter(acc_cols[2 * j + 1], [d16], g1 * b)
            plsc.addupdate_scatter(s_v, [s16], b, mask=mask_s)

    @pl.loop(0, NCHUNK, step=2)
    def _chunk(c):
        drain(eiA, semA)
        start(c + 1, eiB, semB)
        process(eiA)
        drain(eiB, semB)

        @pl.when(c + 2 < NCHUNK)
        def _():
            start(c + 2, eiA, semA)

        process(eiB)

    @pl.when(sh == 0)
    def _tail():
        pltpu.sync_copy(
            edge_hbm.at[pl.ds(0, 2), pl.ds(TAIL_BASE, TAIL)], tail_v)
        process(tail_v, GRP_T)

    for j in range(FPT // 2):
        pltpu.sync_copy(acc_cols[2 * j], out_hbm.at[sh, fg * 2 + j])
        pltpu.sync_copy(acc_cols[2 * j + 1], out_hbm.at[sh, fg * 2 + j + H // 2])
    pltpu.sync_copy(s_v, s_hbm.at[wid])


def _tc_finish_body(outp_ref, sp_ref, dis_ref, xw2t_ref, b1_ref, w2_ref,
                    b2_ref, o_ref):
    dis = dis_ref[...]
    edge = jnp.sum(outp_ref[...], axis=0)
    h = edge + dis * xw2t_ref[...] + b1_ref[...]
    h = jnp.maximum(h, 0.0)
    s = jnp.sum(sp_ref[...], axis=0, keepdims=True)
    cvec = dis * (s + dis)
    v = jnp.sum(h * cvec, axis=1, keepdims=True)
    pooled = jnp.sum(v * w2_ref[...], axis=0, keepdims=True) / N + b2_ref[...]
    m = jnp.max(pooled)
    e = jnp.exp(pooled - m)
    o_ref[...] = e / jnp.sum(e)


_tc_finish = pl.pallas_call(
    _tc_finish_body,
    out_shape=jax.ShapeDtypeStruct((1, C), jnp.float32),
)


def kernel(x, edge_index, W1, b1, W2, b2):
    edge_index = edge_index.astype(jnp.int32)

    xw = _tc_matmul(x, W1)
    deg_part = _sc_degree(edge_index)
    dis2d, xw2t, xwp = _tc_scale(deg_part, xw)
    dis = dis2d.reshape(N)

    out_part, s_part = _sc_edges(edge_index, dis, xwp)
    out = _tc_finish(out_part, s_part, dis2d, xw2t,
                     b1.reshape(H, 1), W2, b2.reshape(1, C))
    return out

# --- scband reference (transcript-rebuilt; emitter-appended) ---
"""Pipeline reference for scband-gnn-8564164788752 (READ-ONLY COPY).

The authoritative reference and input builder live on the scoring server;
editing this copy changes nothing except your own understanding.
"""

import jax, jax.numpy as jnp
import numpy as np

N_NODES = 10000
N_EDGES = 320000
D_FEAT = 128
HIDDEN = 16
N_CLASSES = 10


def _gcn_conv(x, edge_index, W, b):
    # GCNConv: D^{-1/2} (A + I) D^{-1/2} X W + b
    n = x.shape[0]
    loop = jnp.arange(n, dtype=edge_index.dtype)
    src = jnp.concatenate([edge_index[0], loop])
    dst = jnp.concatenate([edge_index[1], loop])
    ones = jnp.ones(src.shape[0], dtype=x.dtype)
    deg = jax.ops.segment_sum(ones, dst, num_segments=n)
    deg_inv_sqrt = jnp.where(deg > 0, 1.0 / jnp.sqrt(deg), 0.0)
    norm = deg_inv_sqrt[src] * deg_inv_sqrt[dst]
    xw = x @ W
    msg = jnp.take(xw, src, axis=0) * norm[:, None]
    out = jax.ops.segment_sum(msg, dst, num_segments=n)
    return out + b


def setup_inputs(seed: int = 0) -> dict:
    key = jax.random.key(seed)
    k1, k2, k3, k4, k5, k6 = jax.random.split(key, 6)
    x = jax.random.normal(k1, (N_NODES, D_FEAT), dtype=jnp.float32)
    edge_index = jax.random.randint(k2, (2, N_EDGES), 0, N_NODES)
    W1 = jax.random.normal(k3, (D_FEAT, HIDDEN), dtype=jnp.float32) * (1.0 / np.sqrt(D_FEAT))
    b1 = jnp.zeros((HIDDEN,), dtype=jnp.float32)
    W2 = jax.random.normal(k4, (HIDDEN, N_CLASSES), dtype=jnp.float32) * (1.0 / np.sqrt(HIDDEN))
    b2 = jnp.zeros((N_CLASSES,), dtype=jnp.float32)
    return {"x": x, "edge_index": edge_index, "W1": W1, "b1": b1, "W2": W2, "b2": b2}


def reference(x, edge_index, W1, b1, W2, b2):
    h = _gcn_conv(x, edge_index, W1, b1)
    h = jax.nn.relu(h)
    # dropout is identity in eval mode
    h = _gcn_conv(h, edge_index, W2, b2)
    # AdaptiveAvgPool1d(1) over node dim after permute -> mean over nodes
    pooled = jnp.mean(h, axis=0)  # [num_classes]
    out = jax.nn.softmax(pooled, axis=0)
    return out[None, :]  # [1, num_classes]

if __name__ == "__main__":
    import jax
    _d = setup_inputs()
    print(jax.jit(kernel)(*tuple(_d.values())))

</pallas_src>

<mosaic_0001>
#map = affine_map<(d0, d1) -> (0, 0)>
#map1 = affine_map<(d0, d1) -> (0)>
#map2 = affine_map<(d0, d1) -> (0, 0, 0)>
module attributes {stable_mosaic.version = 14 : i64} {
  func.func @_sc_edges(%arg0: i32, %arg1: i32, %arg2: memref<2x320000xi32, #tpu.memory_space<hbm>>, %arg3: memref<10000xf32, #tpu.memory_space<hbm>>, %arg4: memref<8x10000xi32, #tpu.memory_space<hbm>>, %arg5: memref<8x16x10000xf32, #tpu.memory_space<hbm>>, %arg6: memref<32x10000xf32, #tpu.memory_space<hbm>>, %arg7: memref<10000xf32, #tpu.memory_space<vmem>>, %arg8: memref<10000xi32, #tpu.memory_space<vmem>>, %arg9: memref<10000xi32, #tpu.memory_space<vmem>>, %arg10: memref<10000xf32, #tpu.memory_space<vmem>>, %arg11: memref<10000xf32, #tpu.memory_space<vmem>>, %arg12: memref<10000xf32, #tpu.memory_space<vmem>>, %arg13: memref<10000xf32, #tpu.memory_space<vmem>>, %arg14: memref<10000xf32, #tpu.memory_space<vmem>>, %arg15: memref<2x1536xi32, #tpu.memory_space<vmem>>, %arg16: memref<2x1536xi32, #tpu.memory_space<vmem>>, %arg17: memref<2x512xi32, #tpu.memory_space<vmem>>, %arg18: memref<!tpu.dma_semaphore, #tpu.memory_space<semaphore_mem>>, %arg19: memref<!tpu.dma_semaphore, #tpu.memory_space<semaphore_mem>>, %arg20: memref<!tpu.dma_semaphore, #tpu.memory_space<semaphore_mem>>) attributes {dimension_semantics = [#tpu.dimension_semantics<core_parallel>, #tpu.dimension_semantics<subcore_parallel>], iteration_bounds = array<i64: 2, 16>, scalar_prefetch = 0 : i64, scratch_operands = 14 : i64, tpu.core_type = #tpu.core_type<sc_vector_subcore>, window_params = [{transform_indices = #map}, {transform_indices = #map1}, {transform_indices = #map}, {transform_indices = #map2}, {transform_indices = #map}]} {
    %mul3A = arith.constant 2 : i32
    %mul3A_0 = arith.muli %arg1, %mul3A : i32
    %add3A = arith.addi %mul3A_0, %arg0 : i32
    %jit3A = arith.constant 4 : i32
    %eq3A = arith.constant 0 : i32
    %eq3A_1 = arith.cmpi eq, %jit3A, %eq3A : i32
    %jit3A_2 = arith.constant 1 : i32
    %select_n3A = arith.select %eq3A_1, %jit3A_2, %jit3A : i32
    %rem3A = arith.remsi %add3A, %select_n3A : i32
    %ne3A = arith.constant 0 : i32
    %ne3A_3 = arith.cmpi ne, %rem3A, %ne3A : i32
    %lt3A = arith.constant 0 : i32
    %lt3A_4 = arith.cmpi slt, %rem3A, %lt3A : i32
    %lt3A_5 = arith.constant 0 : i32
    %lt3A_6 = arith.cmpi slt, %select_n3A, %lt3A_5 : i32
    %ne3A_7 = arith.xori %lt3A_4, %lt3A_6 : i1
    %and3A = arith.andi %ne3A_7, %ne3A_3 : i1
    %add3A_8 = arith.addi %rem3A, %select_n3A : i32
    %select_n3A_9 = arith.select %and3A, %add3A_8, %rem3A : i32
    %jit3A_10 = arith.constant 4 : i32
    %div3A = arith.divsi %add3A, %jit3A_10 : i32
    %sign3A = arith.constant 0 : i32
    %sign3A_11 = arith.cmpi sgt, %add3A, %sign3A : i32
    %sign3A_12 = arith.extui %sign3A_11 : i1 to i32
    %sign3A_13 = arith.constant 0 : i32
    %sign3A_14 = arith.cmpi slt, %add3A, %sign3A_13 : i32
    %sign3A_15 = arith.extui %sign3A_14 : i1 to i32
    %sign3A_16 = arith.subi %sign3A_12, %sign3A_15 : i32
    %sign3A_17 = arith.constant 0 : i32
    %sign3A_18 = arith.cmpi sgt, %jit3A_10, %sign3A_17 : i32
    %sign3A_19 = arith.extui %sign3A_18 : i1 to i32
    %sign3A_20 = arith.constant 0 : i32
    %sign3A_21 = arith.cmpi slt, %jit3A_10, %sign3A_20 : i32
    %sign3A_22 = arith.extui %sign3A_21 : i1 to i32
    %sign3A_23 = arith.subi %sign3A_19, %sign3A_22 : i32
    %ne3A_24 = arith.cmpi ne, %sign3A_16, %sign3A_23 : i32
    %rem3A_25 = arith.remsi %add3A, %jit3A_10 : i32
    %ne3A_26 = arith.constant 0 : i32
    %ne3A_27 = arith.cmpi ne, %rem3A_25, %ne3A_26 : i32
    %and3A_28 = arith.andi %ne3A_24, %ne3A_27 : i1
    %sub3A = arith.constant 1 : i32
    %sub3A_29 = arith.subi %div3A, %sub3A : i32
    %select_n3A_30 = arith.select %and3A_28, %sub3A_29, %div3A : i32
    %mul3A_31 = arith.constant 39936 : i32
    %mul3A_32 = arith.muli %select_n3A_30, %mul3A_31 : i32
    %add3A_33 = arith.constant 0 : i32
    %add3A_34 = arith.addi %mul3A_32, %add3A_33 : i32
    %dma_start3A = arith.constant 0 : i32
    %dma_start3A_35 = tpu.memref_slice %arg2[%dma_start3A, %add3A_34] : memref<2x320000xi32, #tpu.memory_space<hbm>> -> memref<2x1536xi32, #tpu.memory_space<hbm>>
    %dma_start3A_36 = arith.constant 0 : i32
    %dma_start3A_37 = tpu.memref_slice %arg2[%dma_start3A_36, %add3A_34] : memref<2x320000xi32, #tpu.memory_space<hbm>> -> memref<2x1536xi32, #tpu.memory_space<hbm>>
    tpu.enqueue_dma source(%dma_start3A_37 : memref<2x1536xi32, #tpu.memory_space<hbm>>) target(%arg15 : memref<2x1536xi32, #tpu.memory_space<vmem>>) target_semaphore(%arg18 : memref<!tpu.dma_semaphore, #tpu.memory_space<semaphore_mem>>)
    %mul3A_38 = arith.constant 2 : i32
    %mul3A_39 = arith.muli %select_n3A_9, %mul3A_38 : i32
    %add3A_40 = arith.constant 0 : i32
    %add3A_41 = arith.addi %mul3A_39, %add3A_40 : i32
    %mul3A_42 = arith.constant 2 : i32
    %mul3A_43 = arith.muli %select_n3A_9, %mul3A_42 : i32
    %add3A_44 = arith.constant 1 : i32
    %add3A_45 = arith.addi %mul3A_43, %add3A_44 : i32
    tpu.enqueue_dma source(%arg3 : memref<10000xf32, #tpu.memory_space<hbm>>) target(%arg7 : memref<10000xf32, #tpu.memory_space<vmem>>) target_semaphore(%arg20 : memref<!tpu.dma_semaphore, #tpu.memory_space<semaphore_mem>>)
    %dma_start3A_46 = arith.constant 0 : i32
    %dma_start3A_47 = tpu.memref_slice %arg4[%add3A_41, %dma_start3A_46] : memref<8x10000xi32, #tpu.memory_space<hbm>> -> memref<1x10000xi32, #tpu.memory_space<hbm>>
    %dma_start3A_48 = tpu.memref_squeeze %dma_start3A_47 : memref<1x10000xi32, #tpu.memory_space<hbm>> -> memref<10000xi32, #tpu.memory_space<hbm>>
    %dma_start3A_49 = arith.constant 0 : i32
    %dma_start3A_50 = tpu.memref_slice %arg4[%add3A_41, %dma_start3A_49] : memref<8x10000xi32, #tpu.memory_space<hbm>> -> memref<1x10000xi32, #tpu.memory_space<hbm>>
    %dma_start3A_51 = tpu.memref_squeeze %dma_start3A_50 : memref<1x10000xi32, #tpu.memory_space<hbm>> -> memref<10000xi32, #tpu.memory_space<hbm>>
    tpu.enqueue_dma source(%dma_start3A_51 : memref<10000xi32, #tpu.memory_space<hbm>>) target(%arg8 : memref<10000xi32, #tpu.memory_space<vmem>>) target_semaphore(%arg20 : memref<!tpu.dma_semaphore, #tpu.memory_space<semaphore_mem>>)
    %dma_start3A_52 = arith.constant 0 : i32
    %dma_start3A_53 = tpu.memref_slice %arg4[%add3A_45, %dma_start3A_52] : memref<8x10000xi32, #tpu.memory_space<hbm>> -> memref<1x10000xi32, #tpu.memory_space<hbm>>
    %dma_start3A_54 = tpu.memref_squeeze %dma_start3A_53 : memref<1x10000xi32, #tpu.memory_space<hbm>> -> memref<10000xi32, #tpu.memory_space<hbm>>
    %dma_start3A_55 = arith.constant 0 : i32
    %dma_start3A_56 = tpu.memref_slice %arg4[%add3A_45, %dma_start3A_55] : memref<8x10000xi32, #tpu.memory_space<hbm>> -> memref<1x10000xi32, #tpu.memory_space<hbm>>
    %dma_start3A_57 = tpu.memref_squeeze %dma_start3A_56 : memref<1x10000xi32, #tpu.memory_space<hbm>> -> memref<10000xi32, #tpu.memory_space<hbm>>
    tpu.enqueue_dma source(%dma_start3A_57 : memref<10000xi32, #tpu.memory_space<hbm>>) target(%arg9 : memref<10000xi32, #tpu.memory_space<vmem>>) target_semaphore(%arg20 : memref<!tpu.dma_semaphore, #tpu.memory_space<semaphore_mem>>)
    %broadcast_in_dim3A = arith.constant 0.000000e+00 : f32
    %broadcast_in_dim3A_58 = vector.broadcast %broadcast_in_dim3A : f32 to vector<16xf32>
    %scan3A = arith.constant 0 : i32
    %scan3A_59 = arith.constant 624 : i32
    %scan3A_60 = arith.addi %scan3A, %scan3A_59 : i32
    %scan3A_61 = arith.constant 8 : i32
    scf.for %scan3A_130 = %scan3A to %scan3A_60 step %scan3A_61  : i32 {
      %mul3A_131 = arith.constant 1 : i32
      %mul3A_132 = arith.muli %scan3A_130, %mul3A_131 : i32
      %add3A_133 = arith.constant 0 : i32
      %add3A_134 = arith.addi %add3A_133, %mul3A_132 : i32
      %mul3A_135 = arith.constant 16 : i32
      %mul3A_136 = arith.muli %add3A_134, %mul3A_135 : i32
      %swap3A_137 = arith.index_cast %mul3A_136 : i32 to index
      %swap3A_138 = tpu.vector_load %arg14[%swap3A_137] {strides = array<i32>} : memref<10000xf32, #tpu.memory_space<vmem>>, vector<16xf32>,
      tpu.vector_store %arg14[%swap3A_137], %broadcast_in_dim3A_58 {strides = array<i32>} : memref<10000xf32, #tpu.memory_space<vmem>>, vector<16xf32>,
      %mul3A_139 = arith.constant 16 : i32
      %mul3A_140 = arith.muli %add3A_134, %mul3A_139 : i32
      %swap3A_141 = arith.index_cast %mul3A_140 : i32 to index
      %swap3A_142 = tpu.vector_load %arg10[%swap3A_141] {strides = array<i32>} : memref<10000xf32, #tpu.memory_space<vmem>>, vector<16xf32>,
      tpu.vector_store %arg10[%swap3A_141], %broadcast_in_dim3A_58 {strides = array<i32>} : memref<10000xf32, #tpu.memory_space<vmem>>, vector<16xf32>,
      %mul3A_143 = arith.constant 16 : i32
      %mul3A_144 = arith.muli %add3A_134, %mul3A_143 : i32
      %swap3A_145 = arith.index_cast %mul3A_144 : i32 to index
      %swap3A_146 = tpu.vector_load %arg11[%swap3A_145] {strides = array<i32>} : memref<10000xf32, #tpu.memory_space<vmem>>, vector<16xf32>,
      tpu.vector_store %arg11[%swap3A_145], %broadcast_in_dim3A_58 {strides = array<i32>} : memref<10000xf32, #tpu.memory_space<vmem>>, vector<16xf32>,
      %mul3A_147 = arith.constant 16 : i32
      %mul3A_148 = arith.muli %add3A_134, %mul3A_147 : i32
      %swap3A_149 = arith.index_cast %mul3A_148 : i32 to index
      %swap3A_150 = tpu.vector_load %arg12[%swap3A_149] {strides = array<i32>} : memref<10000xf32, #tpu.memory_space<vmem>>, vector<16xf32>,
      tpu.vector_store %arg12[%swap3A_149], %broadcast_in_dim3A_58 {strides = array<i32>} : memref<10000xf32, #tpu.memory_space<vmem>>, vector<16xf32>,
      %mul3A_151 = arith.constant 16 : i32
      %mul3A_152 = arith.muli %add3A_134, %mul3A_151 : i32
      %swap3A_153 = arith.index_cast %mul3A_152 : i32 to index
      %swap3A_154 = tpu.vector_load %arg13[%swap3A_153] {strides = array<i32>} : memref<10000xf32, #tpu.memory_space<vmem>>, vector<16xf32>,
      tpu.vector_store %arg13[%swap3A_153], %broadcast_in_dim3A_58 {strides = array<i32>} : memref<10000xf32, #tpu.memory_space<vmem>>, vector<16xf32>,
      %scan3A_155 = arith.constant 1 : i32
      %scan3A_156 = arith.addi %scan3A_130, %scan3A_155 : i32
      %mul3A_157 = arith.constant 1 : i32
      %mul3A_158 = arith.muli %scan3A_156, %mul3A_157 : i32
      %add3A_159 = arith.constant 0 : i32
      %add3A_160 = arith.addi %add3A_159, %mul3A_158 : i32
      %mul3A_161 = arith.constant 16 : i32
      %mul3A_162 = arith.muli %add3A_160, %mul3A_161 : i32
      %swap3A_163 = arith.index_cast %mul3A_162 : i32 to index
      %swap3A_164 = tpu.vector_load %arg14[%swap3A_163] {strides = array<i32>} : memref<10000xf32, #tpu.memory_space<vmem>>, vector<16xf32>,
      tpu.vector_store %arg14[%swap3A_163], %broadcast_in_dim3A_58 {strides = array<i32>} : memref<10000xf32, #tpu.memory_space<vmem>>, vector<16xf32>,
      %mul3A_165 = arith.constant 16 : i32
      %mul3A_166 = arith.muli %add3A_160, %mul3A_165 : i32
      %swap3A_167 = arith.index_cast %mul3A_166 : i32 to index
      %swap3A_168 = tpu.vector_load %arg10[%swap3A_167] {strides = array<i32>} : memref<10000xf32, #tpu.memory_space<vmem>>, vector<16xf32>,
      tpu.vector_store %arg10[%swap3A_167], %broadcast_in_dim3A_58 {strides = array<i32>} : memref<10000xf32, #tpu.memory_space<vmem>>, vector<16xf32>,
      %mul3A_169 = arith.constant 16 : i32
      %mul3A_170 = arith.muli %add3A_160, %mul3A_169 : i32
      %swap3A_171 = arith.index_cast %mul3A_170 : i32 to index
      %swap3A_172 = tpu.vector_load %arg11[%swap3A_171] {strides = array<i32>} : memref<10000xf32, #tpu.memory_space<vmem>>, vector<16xf32>,
      tpu.vector_store %arg11[%swap3A_171], %broadcast_in_dim3A_58 {strides = array<i32>} : memref<10000xf32, #tpu.memory_space<vmem>>, vector<16xf32>,
      %mul3A_173 = arith.constant 16 : i32
      %mul3A_174 = arith.muli %add3A_160, %mul3A_173 : i32
      %swap3A_175 = arith.index_cast %mul3A_174 : i32 to index
      %swap3A_176 = tpu.vector_load %arg12[%swap3A_175] {strides = array<i32>} : memref<10000xf32, #tpu.memory_space<vmem>>, vector<16xf32>,
      tpu.vector_store %arg12[%swap3A_175], %broadcast_in_dim3A_58 {strides = array<i32>} : memref<10000xf32, #tpu.memory_space<vmem>>, vector<16xf32>,
      %mul3A_177 = arith.constant 16 : i32
      %mul3A_178 = arith.muli %add3A_160, %mul3A_177 : i32
      %swap3A_179 = arith.index_cast %mul3A_178 : i32 to index
      %swap3A_180 = tpu.vector_load %arg13[%swap3A_179] {strides = array<i32>} : memref<10000xf32, #tpu.memory_space<vmem>>, vector<16xf32>,
      tpu.vector_store %arg13[%swap3A_179], %broadcast_in_dim3A_58 {strides = array<i32>} : memref<10000xf32, #tpu.memory_space<vmem>>, vector<16xf32>,
      %scan3A_181 = arith.constant 2 : i32
      %scan3A_182 = arith.addi %scan3A_130, %scan3A_181 : i32
      %mul3A_183 = arith.constant 1 : i32
      %mul3A_184 = arith.muli %scan3A_182, %mul3A_183 : i32
      %add3A_185 = arith.constant 0 : i32
      %add3A_186 = arith.addi %add3A_185, %mul3A_184 : i32
      %mul3A_187 = arith.constant 16 : i32
      %mul3A_188 = arith.muli %add3A_186, %mul3A_187 : i32
      %swap3A_189 = arith.index_cast %mul3A_188 : i32 to index
      %swap3A_190 = tpu.vector_load %arg14[%swap3A_189] {strides = array<i32>} : memref<10000xf32, #tpu.memory_space<vmem>>, vector<16xf32>,
      tpu.vector_store %arg14[%swap3A_189], %broadcast_in_dim3A_58 {strides = array<i32>} : memref<10000xf32, #tpu.memory_space<vmem>>, vector<16xf32>,
      %mul3A_191 = arith.constant 16 : i32
      %mul3A_192 = arith.muli %add3A_186, %mul3A_191 : i32
      %swap3A_193 = arith.index_cast %mul3A_192 : i32 to index
      %swap3A_194 = tpu.vector_load %arg10[%swap3A_193] {strides = array<i32>} : memref<10000xf32, #tpu.memory_space<vmem>>, vector<16xf32>,
      tpu.vector_store %arg10[%swap3A_193], %broadcast_in_dim3A_58 {strides = array<i32>} : memref<10000xf32, #tpu.memory_space<vmem>>, vector<16xf32>,
      %mul3A_195 = arith.constant 16 : i32
      %mul3A_196 = arith.muli %add3A_186, %mul3A_195 : i32
      %swap3A_197 = arith.index_cast %mul3A_196 : i32 to index
      %swap3A_198 = tpu.vector_load %arg11[%swap3A_197] {strides = array<i32>} : memref<10000xf32, #tpu.memory_space<vmem>>, vector<16xf32>,
      tpu.vector_store %arg11[%swap3A_197], %broadcast_in_dim3A_58 {strides = array<i32>} : memref<10000xf32, #tpu.memory_space<vmem>>, vector<16xf32>,
      %mul3A_199 = arith.constant 16 : i32
      %mul3A_200 = arith.muli %add3A_186, %mul3A_199 : i32
      %swap3A_201 = arith.index_cast %mul3A_200 : i32 to index
      %swap3A_202 = tpu.vector_load %arg12[%swap3A_201] {strides = array<i32>} : memref<10000xf32, #tpu.memory_space<vmem>>, vector<16xf32>,
      tpu.vector_store %arg12[%swap3A_201], %broadcast_in_dim3A_58 {strides = array<i32>} : memref<10000xf32, #tpu.memory_space<vmem>>, vector<16xf32>,
      %mul3A_203 = arith.constant 16 : i32
      %mul3A_204 = arith.muli %add3A_186, %mul3A_203 : i32
      %swap3A_205 = arith.index_cast %mul3A_204 : i32 to index
      %swap3A_206 = tpu.vector_load %arg13[%swap3A_205] {strides = array<i32>} : memref<10000xf32, #tpu.memory_space<vmem>>, vector<16xf32>,
      tpu.vector_store %arg13[%swap3A_205], %broadcast_in_dim3A_58 {strides = array<i32>} : memref<10000xf32, #tpu.memory_space<vmem>>, vector<16xf32>,
      %scan3A_207 = arith.constant 3 : i32
      %scan3A_208 = arith.addi %scan3A_130, %scan3A_207 : i32
      %mul3A_209 = arith.constant 1 : i32
      %mul3A_210 = arith.muli %scan3A_208, %mul3A_209 : i32
      %add3A_211 = arith.constant 0 : i32
      %add3A_212 = arith.addi %add3A_211, %mul3A_210 : i32
      %mul3A_213 = arith.constant 16 : i32
      %mul3A_214 = arith.muli %add3A_212, %mul3A_213 : i32
      %swap3A_215 = arith.index_cast %mul3A_214 : i32 to index
      %swap3A_216 = tpu.vector_load %arg14[%swap3A_215] {strides = array<i32>} : memref<10000xf32, #tpu.memory_space<vmem>>, vector<16xf32>,
      tpu.vector_store %arg14[%swap3A_215], %broadcast_in_dim3A_58 {strides = array<i32>} : memref<10000xf32, #tpu.memory_space<vmem>>, vector<16xf32>,
      %mul3A_217 = arith.constant 16 : i32
      %mul3A_218 = arith.muli %add3A_212, %mul3A_217 : i32
      %swap3A_219 = arith.index_cast %mul3A_218 : i32 to index
      %swap3A_220 = tpu.vector_load %arg10[%swap3A_219] {strides = array<i32>} : memref<10000xf32, #tpu.memory_space<vmem>>, vector<16xf32>,
      tpu.vector_store %arg10[%swap3A_219], %broadcast_in_dim3A_58 {strides = array<i32>} : memref<10000xf32, #tpu.memory_space<vmem>>, vector<16xf32>,
      %mul3A_221 = arith.constant 16 : i32
      %mul3A_222 = arith.muli %add3A_212, %mul3A_221 : i32
      %swap3A_223 = arith.index_cast %mul3A_222 : i32 to index
      %swap3A_224 = tpu.vector_load %arg11[%swap3A_223] {strides = array<i32>} : memref<10000xf32, #tpu.memory_space<vmem>>, vector<16xf32>,
      tpu.vector_store %arg11[%swap3A_223], %broadcast_in_dim3A_58 {strides = array<i32>} : memref<10000xf32, #tpu.memory_space<vmem>>, vector<16xf32>,
      %mul3A_225 = arith.constant 16 : i32
      %mul3A_226 = arith.muli %add3A_212, %mul3A_225 : i32
      %swap3A_227 = arith.index_cast %mul3A_226 : i32 to index
      %swap3A_228 = tpu.vector_load %arg12[%swap3A_227] {strides = array<i32>} : memref<10000xf32, #tpu.memory_space<vmem>>, vector<16xf32>,
      tpu.vector_store %arg12[%swap3A_227], %broadcast_in_dim3A_58 {strides = array<i32>} : memref<10000xf32, #tpu.memory_space<vmem>>, vector<16xf32>,
      %mul3A_229 = arith.constant 16 : i32
      %mul3A_230 = arith.muli %add3A_212, %mul3A_229 : i32
      %swap3A_231 = arith.index_cast %mul3A_230 : i32 to index
      %swap3A_232 = tpu.vector_load %arg13[%swap3A_231] {strides = array<i32>} : memref<10000xf32, #tpu.memory_space<vmem>>, vector<16xf32>,
      tpu.vector_store %arg13[%swap3A_231], %broadcast_in_dim3A_58 {strides = array<i32>} : memref<10000xf32, #tpu.memory_space<vmem>>, vector<16xf32>,
      %scan3A_233 = arith.constant 4 : i32
      %scan3A_234 = arith.addi %scan3A_130, %scan3A_233 : i32
      %mul3A_235 = arith.constant 1 : i32
      %mul3A_236 = arith.muli %scan3A_234, %mul3A_235 : i32
      %add3A_237 = arith.constant 0 : i32
      %add3A_238 = arith.addi %add3A_237, %mul3A_236 : i32
      %mul3A_239 = arith.constant 16 : i32
      %mul3A_240 = arith.muli %add3A_238, %mul3A_239 : i32
      %swap3A_241 = arith.index_cast %mul3A_240 : i32 to index
      %swap3A_242 = tpu.vector_load %arg14[%swap3A_241] {strides = array<i32>} : memref<10000xf32, #tpu.memory_space<vmem>>, vector<16xf32>,
      tpu.vector_store %arg14[%swap3A_241], %broadcast_in_dim3A_58 {strides = array<i32>} : memref<10000xf32, #tpu.memory_space<vmem>>, vector<16xf32>,
      %mul3A_243 = arith.constant 16 : i32
      %mul3A_244 = arith.muli %add3A_238, %mul3A_243 : i32
      %swap3A_245 = arith.index_cast %mul3A_244 : i32 to index
      %swap3A_246 = tpu.vector_load %arg10[%swap3A_245] {strides = array<i32>} : memref<10000xf32, #tpu.memory_space<vmem>>, vector<16xf32>,
      tpu.vector_store %arg10[%swap3A_245], %broadcast_in_dim3A_58 {strides = array<i32>} : memref<10000xf32, #tpu.memory_space<vmem>>, vector<16xf32>,
      %mul3A_247 = arith.constant 16 : i32
      %mul3A_248 = arith.muli %add3A_238, %mul3A_247 : i32
      %swap3A_249 = arith.index_cast %mul3A_248 : i32 to index
      %swap3A_250 = tpu.vector_load %arg11[%swap3A_249] {strides = array<i32>} : memref<10000xf32, #tpu.memory_space<vmem>>, vector<16xf32>,
      tpu.vector_store %arg11[%swap3A_249], %broadcast_in_dim3A_58 {strides = array<i32>} : memref<10000xf32, #tpu.memory_space<vmem>>, vector<16xf32>,
      %mul3A_251 = arith.constant 16 : i32
      %mul3A_252 = arith.muli %add3A_238, %mul3A_251 : i32
      %swap3A_253 = arith.index_cast %mul3A_252 : i32 to index
      %swap3A_254 = tpu.vector_load %arg12[%swap3A_253] {strides = array<i32>} : memref<10000xf32, #tpu.memory_space<vmem>>, vector<16xf32>,
      tpu.vector_store %arg12[%swap3A_253], %broadcast_in_dim3A_58 {strides = array<i32>} : memref<10000xf32, #tpu.memory_space<vmem>>, vector<16xf32>,
      %mul3A_255 = arith.constant 16 : i32
      %mul3A_256 = arith.muli %add3A_238, %mul3A_255 : i32
      %swap3A_257 = arith.index_cast %mul3A_256 : i32 to index
      %swap3A_258 = tpu.vector_load %arg13[%swap3A_257] {strides = array<i32>} : memref<10000xf32, #tpu.memory_space<vmem>>, vector<16xf32>,
      tpu.vector_store %arg13[%swap3A_257], %broadcast_in_dim3A_58 {strides = array<i32>} : memref<10000xf32, #tpu.memory_space<vmem>>, vector<16xf32>,
      %scan3A_259 = arith.constant 5 : i32
      %scan3A_260 = arith.addi %scan3A_130, %scan3A_259 : i32
      %mul3A_261 = arith.constant 1 : i32
      %mul3A_262 = arith.muli %scan3A_260, %mul3A_261 : i32
      %add3A_263 = arith.constant 0 : i32
      %add3A_264 = arith.addi %add3A_263, %mul3A_262 : i32
      %mul3A_265 = arith.constant 16 : i32
      %mul3A_266 = arith.muli %add3A_264, %mul3A_265 : i32
      %swap3A_267 = arith.index_cast %mul3A_266 : i32 to index
      %swap3A_268 = tpu.vector_load %arg14[%swap3A_267] {strides = array<i32>} : memref<10000xf32, #tpu.memory_space<vmem>>, vector<16xf32>,
      tpu.vector_store %arg14[%swap3A_267], %broadcast_in_dim3A_58 {strides = array<i32>} : memref<10000xf32, #tpu.memory_space<vmem>>, vector<16xf32>,
      %mul3A_269 = arith.constant 16 : i32
      %mul3A_270 = arith.muli %add3A_264, %mul3A_269 : i32
      %swap3A_271 = arith.index_cast %mul3A_270 : i32 to index
      %swap3A_272 = tpu.vector_load %arg10[%swap3A_271] {strides = array<i32>} : memref<10000xf32, #tpu.memory_space<vmem>>, vector<16xf32>,
      tpu.vector_store %arg10[%swap3A_271], %broadcast_in_dim3A_58 {strides = array<i32>} : memref<10000xf32, #tpu.memory_space<vmem>>, vector<16xf32>,
      %mul3A_273 = arith.constant 16 : i32
      %mul3A_274 = arith.muli %add3A_264, %mul3A_273 : i32
      %swap3A_275 = arith.index_cast %mul3A_274 : i32 to index
      %swap3A_276 = tpu.vector_load %arg11[%swap3A_275] {strides = array<i32>} : memref<10000xf32, #tpu.memory_space<vmem>>, vector<16xf32>,
      tpu.vector_store %arg11[%swap3A_275], %broadcast_in_dim3A_58 {strides = array<i32>} : memref<10000xf32, #tpu.memory_space<vmem>>, vector<16xf32>,
      %mul3A_277 = arith.constant 16 : i32
      %mul3A_278 = arith.muli %add3A_264, %mul3A_277 : i32
      %swap3A_279 = arith.index_cast %mul3A_278 : i32 to index
      %swap3A_280 = tpu.vector_load %arg12[%swap3A_279] {strides = array<i32>} : memref<10000xf32, #tpu.memory_space<vmem>>, vector<16xf32>,
      tpu.vector_store %arg12[%swap3A_279], %broadcast_in_dim3A_58 {strides = array<i32>} : memref<10000xf32, #tpu.memory_space<vmem>>, vector<16xf32>,
      %mul3A_281 = arith.constant 16 : i32
      %mul3A_282 = arith.muli %add3A_264, %mul3A_281 : i32
      %swap3A_283 = arith.index_cast %mul3A_282 : i32 to index
      %swap3A_284 = tpu.vector_load %arg13[%swap3A_283] {strides = array<i32>} : memref<10000xf32, #tpu.memory_space<vmem>>, vector<16xf32>,
      tpu.vector_store %arg13[%swap3A_283], %broadcast_in_dim3A_58 {strides = array<i32>} : memref<10000xf32, #tpu.memory_space<vmem>>, vector<16xf32>,
      %scan3A_285 = arith.constant 6 : i32
      %scan3A_286 = arith.addi %scan3A_130, %scan3A_285 : i32
      %mul3A_287 = arith.constant 1 : i32
      %mul3A_288 = arith.muli %scan3A_286, %mul3A_287 : i32
      %add3A_289 = arith.constant 0 : i32
      %add3A_290 = arith.addi %add3A_289, %mul3A_288 : i32
      %mul3A_291 = arith.constant 16 : i32
      %mul3A_292 = arith.muli %add3A_290, %mul3A_291 : i32
      %swap3A_293 = arith.index_cast %mul3A_292 : i32 to index
      %swap3A_294 = tpu.vector_load %arg14[%swap3A_293] {strides = array<i32>} : memref<10000xf32, #tpu.memory_space<vmem>>, vector<16xf32>,
      tpu.vector_store %arg14[%swap3A_293], %broadcast_in_dim3A_58 {strides = array<i32>} : memref<10000xf32, #tpu.memory_space<vmem>>, vector<16xf32>,
      %mul3A_295 = arith.constant 16 : i32
      %mul3A_296 = arith.muli %add3A_290, %mul3A_295 : i32
      %swap3A_297 = arith.index_cast %mul3A_296 : i32 to index
      %swap3A_298 = tpu.vector_load %arg10[%swap3A_297] {strides = array<i32>} : memref<10000xf32, #tpu.memory_space<vmem>>, vector<16xf32>,
      tpu.vector_store %arg10[%swap3A_297], %broadcast_in_dim3A_58 {strides = array<i32>} : memref<10000xf32, #tpu.memory_space<vmem>>, vector<16xf32>,
      %mul3A_299 = arith.constant 16 : i32
      %mul3A_300 = arith.muli %add3A_290, %mul3A_299 : i32
      %swap3A_301 = arith.index_cast %mul3A_300 : i32 to index
      %swap3A_302 = tpu.vector_load %arg11[%swap3A_301] {strides = array<i32>} : memref<10000xf32, #tpu.memory_space<vmem>>, vector<16xf32>,
      tpu.vector_store %arg11[%swap3A_301], %broadcast_in_dim3A_58 {strides = array<i32>} : memref<10000xf32, #tpu.memory_space<vmem>>, vector<16xf32>,
      %mul3A_303 = arith.constant 16 : i32
      %mul3A_304 = arith.muli %add3A_290, %mul3A_303 : i32
      %swap3A_305 = arith.index_cast %mul3A_304 : i32 to index
      %swap3A_306 = tpu.vector_load %arg12[%swap3A_305] {strides = array<i32>} : memref<10000xf32, #tpu.memory_space<vmem>>, vector<16xf32>,
      tpu.vector_store %arg12[%swap3A_305], %broadcast_in_dim3A_58 {strides = array<i32>} : memref<10000xf32, #tpu.memory_space<vmem>>, vector<16xf32>,
      %mul3A_307 = arith.constant 16 : i32
      %mul3A_308 = arith.muli %add3A_290, %mul3A_307 : i32
      %swap3A_309 = arith.index_cast %mul3A_308 : i32 to index
      %swap3A_310 = tpu.vector_load %arg13[%swap3A_309] {strides = array<i32>} : memref<10000xf32, #tpu.memory_space<vmem>>, vector<16xf32>,
      tpu.vector_store %arg13[%swap3A_309], %broadcast_in_dim3A_58 {strides = array<i32>} : memref<10000xf32, #tpu.memory_space<vmem>>, vector<16xf32>,
      %scan3A_311 = arith.constant 7 : i32
      %scan3A_312 = arith.addi %scan3A_130, %scan3A_311 : i32
      %mul3A_313 = arith.constant 1 : i32
      %mul3A_314 = arith.muli %scan3A_312, %mul3A_313 : i32
      %add3A_315 = arith.constant 0 : i32
      %add3A_316 = arith.addi %add3A_315, %mul3A_314 : i32
      %mul3A_317 = arith.constant 16 : i32
      %mul3A_318 = arith.muli %add3A_316, %mul3A_317 : i32
      %swap3A_319 = arith.index_cast %mul3A_318 : i32 to index
      %swap3A_320 = tpu.vector_load %arg14[%swap3A_319] {strides = array<i32>} : memref<10000xf32, #tpu.memory_space<vmem>>, vector<16xf32>,
      tpu.vector_store %arg14[%swap3A_319], %broadcast_in_dim3A_58 {strides = array<i32>} : memref<10000xf32, #tpu.memory_space<vmem>>, vector<16xf32>,
      %mul3A_321 = arith.constant 16 : i32
      %mul3A_322 = arith.muli %add3A_316, %mul3A_321 : i32
      %swap3A_323 = arith.index_cast %mul3A_322 : i32 to index
      %swap3A_324 = tpu.vector_load %arg10[%swap3A_323] {strides = array<i32>} : memref<10000xf32, #tpu.memory_space<vmem>>, vector<16xf32>,
      tpu.vector_store %arg10[%swap3A_323], %broadcast_in_dim3A_58 {strides = array<i32>} : memref<10000xf32, #tpu.memory_space<vmem>>, vector<16xf32>,
      %mul3A_325 = arith.constant 16 : i32
      %mul3A_326 = arith.muli %add3A_316, %mul3A_325 : i32
      %swap3A_327 = arith.index_cast %mul3A_326 : i32 to index
      %swap3A_328 = tpu.vector_load %arg11[%swap3A_327] {strides = array<i32>} : memref<10000xf32, #tpu.memory_space<vmem>>, vector<16xf32>,
      tpu.vector_store %arg11[%swap3A_327], %broadcast_in_dim3A_58 {strides = array<i32>} : memref<10000xf32, #tpu.memory_space<vmem>>, vector<16xf32>,
      %mul3A_329 = arith.constant 16 : i32
      %mul3A_330 = arith.muli %add3A_316, %mul3A_329 : i32
      %swap3A_331 = arith.index_cast %mul3A_330 : i32 to index
      %swap3A_332 = tpu.vector_load %arg12[%swap3A_331] {strides = array<i32>} : memref<10000xf32, #tpu.memory_space<vmem>>, vector<16xf32>,
      tpu.vector_store %arg12[%swap3A_331], %broadcast_in_dim3A_58 {strides = array<i32>} : memref<10000xf32, #tpu.memory_space<vmem>>, vector<16xf32>,
      %mul3A_333 = arith.constant 16 : i32
      %mul3A_334 = arith.muli %add3A_316, %mul3A_333 : i32
      %swap3A_335 = arith.index_cast %mul3A_334 : i32 to index
      %swap3A_336 = tpu.vector_load %arg13[%swap3A_335] {strides = array<i32>} : memref<10000xf32, #tpu.memory_space<vmem>>, vector<16xf32>,
      tpu.vector_store %arg13[%swap3A_335], %broadcast_in_dim3A_58 {strides = array<i32>} : memref<10000xf32, #tpu.memory_space<vmem>>, vector<16xf32>,
    }
    %scan3A_62 = arith.constant 624 : i32
    %scan3A_63 = arith.addi %scan3A, %scan3A_62 : i32
    %mul3A_64 = arith.constant 1 : i32
    %mul3A_65 = arith.muli %scan3A_63, %mul3A_64 : i32
    %add3A_66 = arith.constant 0 : i32
    %add3A_67 = arith.addi %add3A_66, %mul3A_65 : i32
    %mul3A_68 = arith.constant 16 : i32
    %mul3A_69 = arith.muli %add3A_67, %mul3A_68 : i32
    %swap3A = arith.index_cast %mul3A_69 : i32 to index
    %swap3A_70 = tpu.vector_load %arg14[%swap3A] {strides = array<i32>} : memref<10000xf32, #tpu.memory_space<vmem>>, vector<16xf32>,
    tpu.vector_store %arg14[%swap3A], %broadcast_in_dim3A_58 {strides = array<i32>} : memref<10000xf32, #tpu.memory_space<vmem>>, vector<16xf32>,
    %mul3A_71 = arith.constant 16 : i32
    %mul3A_72 = arith.muli %add3A_67, %mul3A_71 : i32
    %swap3A_73 = arith.index_cast %mul3A_72 : i32 to index
    %swap3A_74 = tpu.vector_load %arg10[%swap3A_73] {strides = array<i32>} : memref<10000xf32, #tpu.memory_space<vmem>>, vector<16xf32>,
    tpu.vector_store %arg10[%swap3A_73], %broadcast_in_dim3A_58 {strides = array<i32>} : memref<10000xf32, #tpu.memory_space<vmem>>, vector<16xf32>,
    %mul3A_75 = arith.constant 16 : i32
    %mul3A_76 = arith.muli %add3A_67, %mul3A_75 : i32
    %swap3A_77 = arith.index_cast %mul3A_76 : i32 to index
    %swap3A_78 = tpu.vector_load %arg11[%swap3A_77] {strides = array<i32>} : memref<10000xf32, #tpu.memory_space<vmem>>, vector<16xf32>,
    tpu.vector_store %arg11[%swap3A_77], %broadcast_in_dim3A_58 {strides = array<i32>} : memref<10000xf32, #tpu.memory_space<vmem>>, vector<16xf32>,
    %mul3A_79 = arith.constant 16 : i32
    %mul3A_80 = arith.muli %add3A_67, %mul3A_79 : i32
    %swap3A_81 = arith.index_cast %mul3A_80 : i32 to index
    %swap3A_82 = tpu.vector_load %arg12[%swap3A_81] {strides = array<i32>} : memref<10000xf32, #tpu.memory_space<vmem>>, vector<16xf32>,
    tpu.vector_store %arg12[%swap3A_81], %broadcast_in_dim3A_58 {strides = array<i32>} : memref<10000xf32, #tpu.memory_space<vmem>>, vector<16xf32>,
    %mul3A_83 = arith.constant 16 : i32
    %mul3A_84 = arith.muli %add3A_67, %mul3A_83 : i32
    %swap3A_85 = arith.index_cast %mul3A_84 : i32 to index
    %swap3A_86 = tpu.vector_load %arg13[%swap3A_85] {strides = array<i32>} : memref<10000xf32, #tpu.memory_space<vmem>>, vector<16xf32>,
    tpu.vector_store %arg13[%swap3A_85], %broadcast_in_dim3A_58 {strides = array<i32>} : memref<10000xf32, #tpu.memory_space<vmem>>, vector<16xf32>,
    %scan3A_87 = arith.constant 625 : i32
    tpu.wait_dma2 semaphore(%arg20 : memref<!tpu.dma_semaphore, #tpu.memory_space<semaphore_mem>>) src(%arg3 : memref<10000xf32, #tpu.memory_space<hbm>>) dst(%arg7 : memref<10000xf32, #tpu.memory_space<vmem>>)
    %dma_wait3A = arith.constant 0 : i32
    %dma_wait3A_88 = tpu.memref_slice %arg4[%add3A_41, %dma_wait3A] : memref<8x10000xi32, #tpu.memory_space<hbm>> -> memref<1x10000xi32, #tpu.memory_space<hbm>>
    %dma_wait3A_89 = tpu.memref_squeeze %dma_wait3A_88 : memref<1x10000xi32, #tpu.memory_space<hbm>> -> memref<10000xi32, #tpu.memory_space<hbm>>
    %dma_wait3A_90 = arith.constant 0 : i32
    %dma_wait3A_91 = tpu.memref_slice %arg4[%add3A_41, %dma_wait3A_90] : memref<8x10000xi32, #tpu.memory_space<hbm>> -> memref<1x10000xi32, #tpu.memory_space<hbm>>
    %dma_wait3A_92 = tpu.memref_squeeze %dma_wait3A_91 : memref<1x10000xi32, #tpu.memory_space<hbm>> -> memref<10000xi32, #tpu.memory_space<hbm>>
    tpu.wait_dma2 semaphore(%arg20 : memref<!tpu.dma_semaphore, #tpu.memory_space<semaphore_mem>>) src(%dma_wait3A_92 : memref<10000xi32, #tpu.memory_space<hbm>>) dst(%arg8 : memref<10000xi32, #tpu.memory_space<vmem>>)
    %dma_wait3A_93 = arith.constant 0 : i32
    %dma_wait3A_94 = tpu.memref_slice %arg4[%add3A_45, %dma_wait3A_93] : memref<8x10000xi32, #tpu.memory_space<hbm>> -> memref<1x10000xi32, #tpu.memory_space<hbm>>
    %dma_wait3A_95 = tpu.memref_squeeze %dma_wait3A_94 : memref<1x10000xi32, #tpu.memory_space<hbm>> -> memref<10000xi32, #tpu.memory_space<hbm>>
    %dma_wait3A_96 = arith.constant 0 : i32
    %dma_wait3A_97 = tpu.memref_slice %arg4[%add3A_45, %dma_wait3A_96] : memref<8x10000xi32, #tpu.memory_space<hbm>> -> memref<1x10000xi32, #tpu.memory_space<hbm>>
    %dma_wait3A_98 = tpu.memref_squeeze %dma_wait3A_97 : memref<1x10000xi32, #tpu.memory_space<hbm>> -> memref<10000xi32, #tpu.memory_space<hbm>>
    tpu.wait_dma2 semaphore(%arg20 : memref<!tpu.dma_semaphore, #tpu.memory_space<semaphore_mem>>) src(%dma_wait3A_98 : memref<10000xi32, #tpu.memory_space<hbm>>) dst(%arg9 : memref<10000xi32, #tpu.memory_space<vmem>>)
    %eq3A_99 = arith.constant 0 : i32
    %eq3A_100 = arith.cmpi eq, %select_n3A_9, %eq3A_99 : i32
    %broadcast_in_dim3A_101 = vector.broadcast %eq3A_100 : i1 to vector<16xi1>
    %scan3A_102 = arith.constant 0 : i32
    %scan3A_103 = arith.constant 13 : i32
    %scan3A_104 = arith.addi %scan3A_102, %scan3A_103 : i32
    %scan3A_105 = arith.constant 1 : i32
    scf.for %scan3A_130 = %scan3A_102 to %scan3A_104 step %scan3A_105  : i32 {
      %mul3A_131 = arith.constant 2 : i32
      %mul3A_132 = arith.muli %scan3A_130, %mul3A_131 : i32
      %add3A_133 = arith.constant 0 : i32
      %add3A_134 = arith.addi %add3A_133, %mul3A_132 : i32
      %dma_wait3A_135 = arith.constant 0 : i32
      %dma_wait3A_136 = arith.constant 0 : i32
      %dma_wait3A_137 = tpu.memref_slice %arg2[%dma_wait3A_135, %dma_wait3A_136] : memref<2x320000xi32, #tpu.memory_space<hbm>> -> memref<2x1536xi32, #tpu.memory_space<hbm>>
      %dma_wait3A_138 = arith.constant 0 : i32
      %dma_wait3A_139 = arith.constant 0 : i32
      %dma_wait3A_140 = tpu.memref_slice %arg2[%dma_wait3A_138, %dma_wait3A_139] : memref<2x320000xi32, #tpu.memory_space<hbm>> -> memref<2x1536xi32, #tpu.memory_space<hbm>>
      tpu.wait_dma2 semaphore(%arg18 : memref<!tpu.dma_semaphore, #tpu.memory_space<semaphore_mem>>) src(%dma_wait3A_140 : memref<2x1536xi32, #tpu.memory_space<hbm>>) dst(%arg15 : memref<2x1536xi32, #tpu.memory_space<vmem>>)
      %add3A_141 = arith.constant 1 : i32
      %add3A_142 = arith.addi %add3A_134, %add3A_141 : i32
      %mul3A_143 = arith.constant 1536 : i32
      %mul3A_144 = arith.muli %add3A_142, %mul3A_143 : i32
      %add3A_145 = arith.addi %mul3A_32, %mul3A_144 : i32
      %dma_start3A_146 = arith.constant 0 : i32
      %dma_start3A_147 = tpu.memref_slice %arg2[%dma_start3A_146, %add3A_145] : memref<2x320000xi32, #tpu.memory_space<hbm>> -> memref<2x1536xi32, #tpu.memory_space<hbm>>
      %dma_start3A_148 = arith.constant 0 : i32
      %dma_start3A_149 = tpu.memref_slice %arg2[%dma_start3A_148, %add3A_145] : memref<2x320000xi32, #tpu.memory_space<hbm>> -> memref<2x1536xi32, #tpu.memory_space<hbm>>
      tpu.enqueue_dma source(%dma_start3A_149 : memref<2x1536xi32, #tpu.memory_space<hbm>>) target(%arg16 : memref<2x1536xi32, #tpu.memory_space<vmem>>) target_semaphore(%arg19 : memref<!tpu.dma_semaphore, #tpu.memory_space<semaphore_mem>>)
      %parallel_loop3A = arith.constant 0 : i32
      %parallel_loop3A_150 = arith.constant 96 : i32
      %parallel_loop3A_151 = arith.constant 1 : i32
      scf.for %parallel_loop3A_168 = %parallel_loop3A to %parallel_loop3A_150 step %parallel_loop3A_151  : i32 {
        %parallel_loop3A_169 = arith.constant 16 : i32
        %parallel_loop3A_170 = arith.muli %parallel_loop3A_168, %parallel_loop3A_169 : i32
        %parallel_loop3A_171 = arith.constant 0 : i32
        %parallel_loop3A_172 = arith.index_cast %parallel_loop3A_171 : i32 to index
        %parallel_loop3A_173 = arith.index_cast %parallel_loop3A_170 : i32 to index
        %parallel_loop3A_174 = tpu.vector_load %arg15[%parallel_loop3A_172, %parallel_loop3A_173] {strides = array<i32>} : memref<2x1536xi32, #tpu.memory_space<vmem>>, vector<16xi32>,
        %parallel_loop3A_175 = arith.constant 16 : i32
        %parallel_loop3A_176 = arith.muli %parallel_loop3A_168, %parallel_loop3A_175 : i32
        %parallel_loop3A_177 = arith.constant 1 : i32
        %parallel_loop3A_178 = arith.index_cast %parallel_loop3A_177 : i32 to index
        %parallel_loop3A_179 = arith.index_cast %parallel_loop3A_176 : i32 to index
        %parallel_loop3A_180 = tpu.vector_load %arg15[%parallel_loop3A_178, %parallel_loop3A_179] {strides = array<i32>} : memref<2x1536xi32, #tpu.memory_space<vmem>>, vector<16xi32>,
        %parallel_loop3A_181 = tpu.vector_load_idx %arg7[%parallel_loop3A_180] : memref<10000xf32, #tpu.memory_space<vmem>>[vector<16xi32>], vector<16xf32>,
        %parallel_loop3A_182 = tpu.vector_load_idx %arg8[%parallel_loop3A_174] : memref<10000xi32, #tpu.memory_space<vmem>>[vector<16xi32>], vector<16xi32>,
        %parallel_loop3A_183 = vector.bitcast %parallel_loop3A_182 : vector<16xi32> to vector<32xbf16>
        %parallel_loop3A_184 = tpu.unpack_subelements %parallel_loop3A_183, 0 {pack_format = #tpu.pack_format<interleaved>} : vector<32xbf16> -> vector<16xf32>
        %parallel_loop3A_185 = tpu.unpack_subelements %parallel_loop3A_183, 1 {pack_format = #tpu.pack_format<interleaved>} : vector<32xbf16> -> vector<16xf32>
        %parallel_loop3A_186 = arith.mulf %parallel_loop3A_184, %parallel_loop3A_181 : vector<16xf32>
        tpu.vector_store_idx %arg10[%parallel_loop3A_180], %parallel_loop3A_186 {add = true} : memref<10000xf32, #tpu.memory_space<vmem>>[vector<16xi32>], vector<16xf32>,
        %parallel_loop3A_187 = arith.mulf %parallel_loop3A_185, %parallel_loop3A_181 : vector<16xf32>
        tpu.vector_store_idx %arg11[%parallel_loop3A_180], %parallel_loop3A_187 {add = true} : memref<10000xf32, #tpu.memory_space<vmem>>[vector<16xi32>], vector<16xf32>,
        %parallel_loop3A_188 = tpu.vector_load_idx %arg9[%parallel_loop3A_174] : memref<10000xi32, #tpu.memory_space<vmem>>[vector<16xi32>], vector<16xi32>,
        %parallel_loop3A_189 = vector.bitcast %parallel_loop3A_188 : vector<16xi32> to vector<32xbf16>
        %parallel_loop3A_190 = tpu.unpack_subelements %parallel_loop3A_189, 0 {pack_format = #tpu.pack_format<interleaved>} : vector<32xbf16> -> vector<16xf32>
        %parallel_loop3A_191 = tpu.unpack_subelements %parallel_loop3A_189, 1 {pack_format = #tpu.pack_format<interleaved>} : vector<32xbf16> -> vector<16xf32>
        %parallel_loop3A_192 = arith.mulf %parallel_loop3A_190, %parallel_loop3A_181 : vector<16xf32>
        tpu.vector_store_idx %arg12[%parallel_loop3A_180], %parallel_loop3A_192 {add = true} : memref<10000xf32, #tpu.memory_space<vmem>>[vector<16xi32>], vector<16xf32>,
        %parallel_loop3A_193 = arith.mulf %parallel_loop3A_191, %parallel_loop3A_181 : vector<16xf32>
        tpu.vector_store_idx %arg13[%parallel_loop3A_180], %parallel_loop3A_193 {add = true} : memref<10000xf32, #tpu.memory_space<vmem>>[vector<16xi32>], vector<16xf32>,
        tpu.vector_store_idx %arg14[%parallel_loop3A_174], %parallel_loop3A_181 masked %broadcast_in_dim3A_101 {add = true} : memref<10000xf32, #tpu.memory_space<vmem>>[vector<16xi32>], vector<16xf32>, vector<16xi1>
      } {sc.loop_unroll_factor = 4 : i64, sc.parallel_access}
      %dma_wait3A_152 = arith.constant 0 : i32
      %dma_wait3A_153 = arith.constant 0 : i32
      %dma_wait3A_154 = tpu.memref_slice %arg2[%dma_wait3A_152, %dma_wait3A_153] : memref<2x320000xi32, #tpu.memory_space<hbm>> -> memref<2x1536xi32, #tpu.memory_space<hbm>>
      %dma_wait3A_155 = arith.constant 0 : i32
      %dma_wait3A_156 = arith.constant 0 : i32
      %dma_wait3A_157 = tpu.memref_slice %arg2[%dma_wait3A_155, %dma_wait3A_156] : memref<2x320000xi32, #tpu.memory_space<hbm>> -> memref<2x1536xi32, #tpu.memory_space<hbm>>
      tpu.wait_dma2 semaphore(%arg19 : memref<!tpu.dma_semaphore, #tpu.memory_space<semaphore_mem>>) src(%dma_wait3A_157 : memref<2x1536xi32, #tpu.memory_space<hbm>>) dst(%arg16 : memref<2x1536xi32, #tpu.memory_space<vmem>>)
      %add3A_158 = arith.constant 2 : i32
      %add3A_159 = arith.addi %add3A_134, %add3A_158 : i32
      %lt3A_160 = arith.constant 26 : i32
      %lt3A_161 = arith.cmpi slt, %add3A_159, %lt3A_160 : i32
      %convert_element_type3A_162 = arith.extui %lt3A_161 : i1 to i32
      %cond3A_163 = arith.constant 0 : i32
      %cond3A_164 = arith.cmpi ne, %convert_element_type3A_162, %cond3A_163 : i32
      scf.if %cond3A_164 {
        %add3A_168 = arith.constant 2 : i32
        %add3A_169 = arith.addi %add3A_134, %add3A_168 : i32
        %mul3A_170 = arith.constant 1536 : i32
        %mul3A_171 = arith.muli %add3A_169, %mul3A_170 : i32
        %add3A_172 = arith.addi %mul3A_32, %mul3A_171 : i32
        %dma_start3A_173 = arith.constant 0 : i32
        %dma_start3A_174 = tpu.memref_slice %arg2[%dma_start3A_173, %add3A_172] : memref<2x320000xi32, #tpu.memory_space<hbm>> -> memref<2x1536xi32, #tpu.memory_space<hbm>>
        %dma_start3A_175 = arith.constant 0 : i32
        %dma_start3A_176 = tpu.memref_slice %arg2[%dma_start3A_175, %add3A_172] : memref<2x320000xi32, #tpu.memory_space<hbm>> -> memref<2x1536xi32, #tpu.memory_space<hbm>>
        tpu.enqueue_dma source(%dma_start3A_176 : memref<2x1536xi32, #tpu.memory_space<hbm>>) target(%arg15 : memref<2x1536xi32, #tpu.memory_space<vmem>>) target_semaphore(%arg18 : memref<!tpu.dma_semaphore, #tpu.memory_space<semaphore_mem>>)
      } else {
      }
      %parallel_loop3A_165 = arith.constant 0 : i32
      %parallel_loop3A_166 = arith.constant 96 : i32
      %parallel_loop3A_167 = arith.constant 1 : i32
      scf.for %parallel_loop3A_168 = %parallel_loop3A_165 to %parallel_loop3A_166 step %parallel_loop3A_167  : i32 {
        %parallel_loop3A_169 = arith.constant 16 : i32
        %parallel_loop3A_170 = arith.muli %parallel_loop3A_168, %parallel_loop3A_169 : i32
        %parallel_loop3A_171 = arith.constant 0 : i32
        %parallel_loop3A_172 = arith.index_cast %parallel_loop3A_171 : i32 to index
        %parallel_loop3A_173 = arith.index_cast %parallel_loop3A_170 : i32 to index
        %parallel_loop3A_174 = tpu.vector_load %arg16[%parallel_loop3A_172, %parallel_loop3A_173] {strides = array<i32>} : memref<2x1536xi32, #tpu.memory_space<vmem>>, vector<16xi32>,
        %parallel_loop3A_175 = arith.constant 16 : i32
        %parallel_loop3A_176 = arith.muli %parallel_loop3A_168, %parallel_loop3A_175 : i32
        %parallel_loop3A_177 = arith.constant 1 : i32
        %parallel_loop3A_178 = arith.index_cast %parallel_loop3A_177 : i32 to index
        %parallel_loop3A_179 = arith.index_cast %parallel_loop3A_176 : i32 to index
        %parallel_loop3A_180 = tpu.vector_load %arg16[%parallel_loop3A_178, %parallel_loop3A_179] {strides = array<i32>} : memref<2x1536xi32, #tpu.memory_space<vmem>>, vector<16xi32>,
        %parallel_loop3A_181 = tpu.vector_load_idx %arg7[%parallel_loop3A_180] : memref<10000xf32, #tpu.memory_space<vmem>>[vector<16xi32>], vector<16xf32>,
        %parallel_loop3A_182 = tpu.vector_load_idx %arg8[%parallel_loop3A_174] : memref<10000xi32, #tpu.memory_space<vmem>>[vector<16xi32>], vector<16xi32>,
        %parallel_loop3A_183 = vector.bitcast %parallel_loop3A_182 : vector<16xi32> to vector<32xbf16>
        %parallel_loop3A_184 = tpu.unpack_subelements %parallel_loop3A_183, 0 {pack_format = #tpu.pack_format<interleaved>} : vector<32xbf16> -> vector<16xf32>
        %parallel_loop3A_185 = tpu.unpack_subelements %parallel_loop3A_183, 1 {pack_format = #tpu.pack_format<interleaved>} : vector<32xbf16> -> vector<16xf32>
        %parallel_loop3A_186 = arith.mulf %parallel_loop3A_184, %parallel_loop3A_181 : vector<16xf32>
        tpu.vector_store_idx %arg10[%parallel_loop3A_180], %parallel_loop3A_186 {add = true} : memref<10000xf32, #tpu.memory_space<vmem>>[vector<16xi32>], vector<16xf32>,
        %parallel_loop3A_187 = arith.mulf %parallel_loop3A_185, %parallel_loop3A_181 : vector<16xf32>
        tpu.vector_store_idx %arg11[%parallel_loop3A_180], %parallel_loop3A_187 {add = true} : memref<10000xf32, #tpu.memory_space<vmem>>[vector<16xi32>], vector<16xf32>,
        %parallel_loop3A_188 = tpu.vector_load_idx %arg9[%parallel_loop3A_174] : memref<10000xi32, #tpu.memory_space<vmem>>[vector<16xi32>], vector<16xi32>,
        %parallel_loop3A_189 = vector.bitcast %parallel_loop3A_188 : vector<16xi32> to vector<32xbf16>
        %parallel_loop3A_190 = tpu.unpack_subelements %parallel_loop3A_189, 0 {pack_format = #tpu.pack_format<interleaved>} : vector<32xbf16> -> vector<16xf32>
        %parallel_loop3A_191 = tpu.unpack_subelements %parallel_loop3A_189, 1 {pack_format = #tpu.pack_format<interleaved>} : vector<32xbf16> -> vector<16xf32>
        %parallel_loop3A_192 = arith.mulf %parallel_loop3A_190, %parallel_loop3A_181 : vector<16xf32>
        tpu.vector_store_idx %arg12[%parallel_loop3A_180], %parallel_loop3A_192 {add = true} : memref<10000xf32, #tpu.memory_space<vmem>>[vector<16xi32>], vector<16xf32>,
        %parallel_loop3A_193 = arith.mulf %parallel_loop3A_191, %parallel_loop3A_181 : vector<16xf32>
        tpu.vector_store_idx %arg13[%parallel_loop3A_180], %parallel_loop3A_193 {add = true} : memref<10000xf32, #tpu.memory_space<vmem>>[vector<16xi32>], vector<16xf32>,
        tpu.vector_store_idx %arg14[%parallel_loop3A_174], %parallel_loop3A_181 masked %broadcast_in_dim3A_101 {add = true} : memref<10000xf32, #tpu.memory_space<vmem>>[vector<16xi32>], vector<16xf32>, vector<16xi1>
      } {sc.loop_unroll_factor = 4 : i64, sc.parallel_access}
    }
    %scan3A_106 = arith.constant 13 : i32
    %eq3A_107 = arith.constant 0 : i32
    %eq3A_108 = arith.cmpi eq, %select_n3A_30, %eq3A_107 : i32
    %convert_element_type3A = arith.extui %eq3A_108 : i1 to i32
    %cond3A = arith.constant 0 : i32
    %cond3A_109 = arith.cmpi ne, %convert_element_type3A, %cond3A : i32
    scf.if %cond3A_109 {
      "tpu.region"() ({
        %run_scoped3A = tpu.sem_alloc : memref<!tpu.dma_semaphore, #tpu.memory_space<semaphore_mem>>
        %dma_start3A_132 = arith.constant 0 : i32
        %dma_start3A_133 = arith.constant 319488 : i32
        %dma_start3A_134 = tpu.memref_slice %arg2[%dma_start3A_132, %dma_start3A_133] : memref<2x320000xi32, #tpu.memory_space<hbm>> -> memref<2x512xi32, #tpu.memory_space<hbm>>
        %dma_start3A_135 = arith.constant 0 : i32
        %dma_start3A_136 = arith.constant 319488 : i32
        %dma_start3A_137 = tpu.memref_slice %arg2[%dma_start3A_135, %dma_start3A_136] : memref<2x320000xi32, #tpu.memory_space<hbm>> -> memref<2x512xi32, #tpu.memory_space<hbm>>
        tpu.enqueue_dma source(%dma_start3A_137 : memref<2x512xi32, #tpu.memory_space<hbm>>) target(%arg17 : memref<2x512xi32, #tpu.memory_space<vmem>>) target_semaphore(%run_scoped3A : memref<!tpu.dma_semaphore, #tpu.memory_space<semaphore_mem>>)
        %dma_wait3A_138 = arith.constant 0 : i32
        %dma_wait3A_139 = arith.constant 319488 : i32
        %dma_wait3A_140 = tpu.memref_slice %arg2[%dma_wait3A_138, %dma_wait3A_139] : memref<2x320000xi32, #tpu.memory_space<hbm>> -> memref<2x512xi32, #tpu.memory_space<hbm>>
        %dma_wait3A_141 = arith.constant 0 : i32
        %dma_wait3A_142 = arith.constant 319488 : i32
        %dma_wait3A_143 = tpu.memref_slice %arg2[%dma_wait3A_141, %dma_wait3A_142] : memref<2x320000xi32, #tpu.memory_space<hbm>> -> memref<2x512xi32, #tpu.memory_space<hbm>>
        tpu.wait_dma2 semaphore(%run_scoped3A : memref<!tpu.dma_semaphore, #tpu.memory_space<semaphore_mem>>) src(%dma_wait3A_143 : memref<2x512xi32, #tpu.memory_space<hbm>>) dst(%arg17 : memref<2x512xi32, #tpu.memory_space<vmem>>)
        tpu.yield
      }) : () -> ()
      %parallel_loop3A = arith.constant 0 : i32
      %parallel_loop3A_130 = arith.constant 32 : i32
      %parallel_loop3A_131 = arith.constant 1 : i32
      scf.for %parallel_loop3A_132 = %parallel_loop3A to %parallel_loop3A_130 step %parallel_loop3A_131  : i32 {
        %parallel_loop3A_133 = arith.constant 16 : i32
        %parallel_loop3A_134 = arith.muli %parallel_loop3A_132, %parallel_loop3A_133 : i32
        %parallel_loop3A_135 = arith.constant 0 : i32
        %parallel_loop3A_136 = arith.index_cast %parallel_loop3A_135 : i32 to index
        %parallel_loop3A_137 = arith.index_cast %parallel_loop3A_134 : i32 to index
        %parallel_loop3A_138 = tpu.vector_load %arg17[%parallel_loop3A_136, %parallel_loop3A_137] {strides = array<i32>} : memref<2x512xi32, #tpu.memory_space<vmem>>, vector<16xi32>,
        %parallel_loop3A_139 = arith.constant 16 : i32
        %parallel_loop3A_140 = arith.muli %parallel_loop3A_132, %parallel_loop3A_139 : i32
        %parallel_loop3A_141 = arith.constant 1 : i32
        %parallel_loop3A_142 = arith.index_cast %parallel_loop3A_141 : i32 to index
        %parallel_loop3A_143 = arith.index_cast %parallel_loop3A_140 : i32 to index
        %parallel_loop3A_144 = tpu.vector_load %arg17[%parallel_loop3A_142, %parallel_loop3A_143] {strides = array<i32>} : memref<2x512xi32, #tpu.memory_space<vmem>>, vector<16xi32>,
        %parallel_loop3A_145 = tpu.vector_load_idx %arg7[%parallel_loop3A_144] : memref<10000xf32, #tpu.memory_space<vmem>>[vector<16xi32>], vector<16xf32>,
        %parallel_loop3A_146 = tpu.vector_load_idx %arg8[%parallel_loop3A_138] : memref<10000xi32, #tpu.memory_space<vmem>>[vector<16xi32>], vector<16xi32>,
        %parallel_loop3A_147 = vector.bitcast %parallel_loop3A_146 : vector<16xi32> to vector<32xbf16>
        %parallel_loop3A_148 = tpu.unpack_subelements %parallel_loop3A_147, 0 {pack_format = #tpu.pack_format<interleaved>} : vector<32xbf16> -> vector<16xf32>
        %parallel_loop3A_149 = tpu.unpack_subelements %parallel_loop3A_147, 1 {pack_format = #tpu.pack_format<interleaved>} : vector<32xbf16> -> vector<16xf32>
        %parallel_loop3A_150 = arith.mulf %parallel_loop3A_148, %parallel_loop3A_145 : vector<16xf32>
        tpu.vector_store_idx %arg10[%parallel_loop3A_144], %parallel_loop3A_150 {add = true} : memref<10000xf32, #tpu.memory_space<vmem>>[vector<16xi32>], vector<16xf32>,
        %parallel_loop3A_151 = arith.mulf %parallel_loop3A_149, %parallel_loop3A_145 : vector<16xf32>
        tpu.vector_store_idx %arg11[%parallel_loop3A_144], %parallel_loop3A_151 {add = true} : memref<10000xf32, #tpu.memory_space<vmem>>[vector<16xi32>], vector<16xf32>,
        %parallel_loop3A_152 = tpu.vector_load_idx %arg9[%parallel_loop3A_138] : memref<10000xi32, #tpu.memory_space<vmem>>[vector<16xi32>], vector<16xi32>,
        %parallel_loop3A_153 = vector.bitcast %parallel_loop3A_152 : vector<16xi32> to vector<32xbf16>
        %parallel_loop3A_154 = tpu.unpack_subelements %parallel_loop3A_153, 0 {pack_format = #tpu.pack_format<interleaved>} : vector<32xbf16> -> vector<16xf32>
        %parallel_loop3A_155 = tpu.unpack_subelements %parallel_loop3A_153, 1 {pack_format = #tpu.pack_format<interleaved>} : vector<32xbf16> -> vector<16xf32>
        %parallel_loop3A_156 = arith.mulf %parallel_loop3A_154, %parallel_loop3A_145 : vector<16xf32>
        tpu.vector_store_idx %arg12[%parallel_loop3A_144], %parallel_loop3A_156 {add = true} : memref<10000xf32, #tpu.memory_space<vmem>>[vector<16xi32>], vector<16xf32>,
        %parallel_loop3A_157 = arith.mulf %parallel_loop3A_155, %parallel_loop3A_145 : vector<16xf32>
        tpu.vector_store_idx %arg13[%parallel_loop3A_144], %parallel_loop3A_157 {add = true} : memref<10000xf32, #tpu.memory_space<vmem>>[vector<16xi32>], vector<16xf32>,
        tpu.vector_store_idx %arg14[%parallel_loop3A_138], %parallel_loop3A_145 masked %broadcast_in_dim3A_101 {add = true} : memref<10000xf32, #tpu.memory_space<vmem>>[vector<16xi32>], vector<16xf32>, vector<16xi1>
      } {sc.loop_unroll_factor = 4 : i64, sc.parallel_access}
    } else {
    }
    %mul3A_110 = arith.constant 2 : i32
    %mul3A_111 = arith.muli %select_n3A_9, %mul3A_110 : i32
    %add3A_112 = arith.constant 0 : i32
    %add3A_113 = arith.addi %mul3A_111, %add3A_112 : i32
    "tpu.region"() ({
      %run_scoped3A = tpu.sem_alloc : memref<!tpu.dma_semaphore, #tpu.memory_space<semaphore_mem>>
      %dma_start3A_130 = arith.constant 0 : i32
      %dma_start3A_131 = tpu.memref_slice %arg5[%select_n3A_30, %add3A_113, %dma_start3A_130] : memref<8x16x10000xf32, #tpu.memory_space<hbm>> -> memref<1x1x10000xf32, #tpu.memory_space<hbm>>
      %dma_start3A_132 = tpu.memref_squeeze %dma_start3A_131 : memref<1x1x10000xf32, #tpu.memory_space<hbm>> -> memref<10000xf32, #tpu.memory_space<hbm>>
      %dma_start3A_133 = arith.constant 0 : i32
      %dma_start3A_134 = tpu.memref_slice %arg5[%select_n3A_30, %add3A_113, %dma_start3A_133] : memref<8x16x10000xf32, #tpu.memory_space<hbm>> -> memref<1x1x10000xf32, #tpu.memory_space<hbm>>
      %dma_start3A_135 = tpu.memref_squeeze %dma_start3A_134 : memref<1x1x10000xf32, #tpu.memory_space<hbm>> -> memref<10000xf32, #tpu.memory_space<hbm>>
      tpu.enqueue_dma source(%arg10 : memref<10000xf32, #tpu.memory_space<vmem>>) target(%dma_start3A_135 : memref<10000xf32, #tpu.memory_space<hbm>>) target_semaphore(%run_scoped3A : memref<!tpu.dma_semaphore, #tpu.memory_space<semaphore_mem>>)
      %dma_wait3A_136 = arith.constant 0 : i32
      %dma_wait3A_137 = tpu.memref_slice %arg5[%select_n3A_30, %add3A_113, %dma_wait3A_136] : memref<8x16x10000xf32, #tpu.memory_space<hbm>> -> memref<1x1x10000xf32, #tpu.memory_space<hbm>>
      %dma_wait3A_138 = tpu.memref_squeeze %dma_wait3A_137 : memref<1x1x10000xf32, #tpu.memory_space<hbm>> -> memref<10000xf32, #tpu.memory_space<hbm>>
      %dma_wait3A_139 = arith.constant 0 : i32
      %dma_wait3A_140 = tpu.memref_slice %arg5[%select_n3A_30, %add3A_113, %dma_wait3A_139] : memref<8x16x10000xf32, #tpu.memory_space<hbm>> -> memref<1x1x10000xf32, #tpu.memory_space<hbm>>
      %dma_wait3A_141 = tpu.memref_squeeze %dma_wait3A_140 : memref<1x1x10000xf32, #tpu.memory_space<hbm>> -> memref<10000xf32, #tpu.memory_space<hbm>>
      tpu.wait_dma2 semaphore(%run_scoped3A : memref<!tpu.dma_semaphore, #tpu.memory_space<semaphore_mem>>) src(%arg10 : memref<10000xf32, #tpu.memory_space<vmem>>) dst(%dma_wait3A_141 : memref<10000xf32, #tpu.memory_space<hbm>>)
      tpu.yield
    }) : () -> ()
    %mul3A_114 = arith.constant 2 : i32
    %mul3A_115 = arith.muli %select_n3A_9, %mul3A_114 : i32
    %add3A_116 = arith.constant 0 : i32
    %add3A_117 = arith.addi %mul3A_115, %add3A_116 : i32
    %add3A_118 = arith.constant 8 : i32
    %add3A_119 = arith.addi %add3A_117, %add3A_118 : i32
    "tpu.region"() ({
      %run_scoped3A = tpu.sem_alloc : memref<!tpu.dma_semaphore, #tpu.memory_space<semaphore_mem>>
      %dma_start3A_130 = arith.constant 0 : i32
      %dma_start3A_131 = tpu.memref_slice %arg5[%select_n3A_30, %add3A_119, %dma_start3A_130] : memref<8x16x10000xf32, #tpu.memory_space<hbm>> -> memref<1x1x10000xf32, #tpu.memory_space<hbm>>
      %dma_start3A_132 = tpu.memref_squeeze %dma_start3A_131 : memref<1x1x10000xf32, #tpu.memory_space<hbm>> -> memref<10000xf32, #tpu.memory_space<hbm>>
      %dma_start3A_133 = arith.constant 0 : i32
      %dma_start3A_134 = tpu.memref_slice %arg5[%select_n3A_30, %add3A_119, %dma_start3A_133] : memref<8x16x10000xf32, #tpu.memory_space<hbm>> -> memref<1x1x10000xf32, #tpu.memory_space<hbm>>
      %dma_start3A_135 = tpu.memref_squeeze %dma_start3A_134 : memref<1x1x10000xf32, #tpu.memory_space<hbm>> -> memref<10000xf32, #tpu.memory_space<hbm>>
      tpu.enqueue_dma source(%arg11 : memref<10000xf32, #tpu.memory_space<vmem>>) target(%dma_start3A_135 : memref<10000xf32, #tpu.memory_space<hbm>>) target_semaphore(%run_scoped3A : memref<!tpu.dma_semaphore, #tpu.memory_space<semaphore_mem>>)
      %dma_wait3A_136 = arith.constant 0 : i32
      %dma_wait3A_137 = tpu.memref_slice %arg5[%select_n3A_30, %add3A_119, %dma_wait3A_136] : memref<8x16x10000xf32, #tpu.memory_space<hbm>> -> memref<1x1x10000xf32, #tpu.memory_space<hbm>>
      %dma_wait3A_138 = tpu.memref_squeeze %dma_wait3A_137 : memref<1x1x10000xf32, #tpu.memory_space<hbm>> -> memref<10000xf32, #tpu.memory_space<hbm>>
      %dma_wait3A_139 = arith.constant 0 : i32
      %dma_wait3A_140 = tpu.memref_slice %arg5[%select_n3A_30, %add3A_119, %dma_wait3A_139] : memref<8x16x10000xf32, #tpu.memory_space<hbm>> -> memref<1x1x10000xf32, #tpu.memory_space<hbm>>
      %dma_wait3A_141 = tpu.memref_squeeze %dma_wait3A_140 : memref<1x1x10000xf32, #tpu.memory_space<hbm>> -> memref<10000xf32, #tpu.memory_space<hbm>>
      tpu.wait_dma2 semaphore(%run_scoped3A : memref<!tpu.dma_semaphore, #tpu.memory_space<semaphore_mem>>) src(%arg11 : memref<10000xf32, #tpu.memory_space<vmem>>) dst(%dma_wait3A_141 : memref<10000xf32, #tpu.memory_space<hbm>>)
      tpu.yield
    }) : () -> ()
    %mul3A_120 = arith.constant 2 : i32
    %mul3A_121 = arith.muli %select_n3A_9, %mul3A_120 : i32
    %add3A_122 = arith.constant 1 : i32
    %add3A_123 = arith.addi %mul3A_121, %add3A_122 : i32
    "tpu.region"() ({
      %run_scoped3A = tpu.sem_alloc : memref<!tpu.dma_semaphore, #tpu.memory_space<semaphore_mem>>
      %dma_start3A_130 = arith.constant 0 : i32
      %dma_start3A_131 = tpu.memref_slice %arg5[%select_n3A_30, %add3A_123, %dma_start3A_130] : memref<8x16x10000xf32, #tpu.memory_space<hbm>> -> memref<1x1x10000xf32, #tpu.memory_space<hbm>>
      %dma_start3A_132 = tpu.memref_squeeze %dma_start3A_131 : memref<1x1x10000xf32, #tpu.memory_space<hbm>> -> memref<10000xf32, #tpu.memory_space<hbm>>
      %dma_start3A_133 = arith.constant 0 : i32
      %dma_start3A_134 = tpu.memref_slice %arg5[%select_n3A_30, %add3A_123, %dma_start3A_133] : memref<8x16x10000xf32, #tpu.memory_space<hbm>> -> memref<1x1x10000xf32, #tpu.memory_space<hbm>>
      %dma_start3A_135 = tpu.memref_squeeze %dma_start3A_134 : memref<1x1x10000xf32, #tpu.memory_space<hbm>> -> memref<10000xf32, #tpu.memory_space<hbm>>
      tpu.enqueue_dma source(%arg12 : memref<10000xf32, #tpu.memory_space<vmem>>) target(%dma_start3A_135 : memref<10000xf32, #tpu.memory_space<hbm>>) target_semaphore(%run_scoped3A : memref<!tpu.dma_semaphore, #tpu.memory_space<semaphore_mem>>)
      %dma_wait3A_136 = arith.constant 0 : i32
      %dma_wait3A_137 = tpu.memref_slice %arg5[%select_n3A_30, %add3A_123, %dma_wait3A_136] : memref<8x16x10000xf32, #tpu.memory_space<hbm>> -> memref<1x1x10000xf32, #tpu.memory_space<hbm>>
      %dma_wait3A_138 = tpu.memref_squeeze %dma_wait3A_137 : memref<1x1x10000xf32, #tpu.memory_space<hbm>> -> memref<10000xf32, #tpu.memory_space<hbm>>
      %dma_wait3A_139 = arith.constant 0 : i32
      %dma_wait3A_140 = tpu.memref_slice %arg5[%select_n3A_30, %add3A_123, %dma_wait3A_139] : memref<8x16x10000xf32, #tpu.memory_space<hbm>> -> memref<1x1x10000xf32, #tpu.memory_space<hbm>>
      %dma_wait3A_141 = tpu.memref_squeeze %dma_wait3A_140 : memref<1x1x10000xf32, #tpu.memory_space<hbm>> -> memref<10000xf32, #tpu.memory_space<hbm>>
      tpu.wait_dma2 semaphore(%run_scoped3A : memref<!tpu.dma_semaphore, #tpu.memory_space<semaphore_mem>>) src(%arg12 : memref<10000xf32, #tpu.memory_space<vmem>>) dst(%dma_wait3A_141 : memref<10000xf32, #tpu.memory_space<hbm>>)
      tpu.yield
    }) : () -> ()
    %mul3A_124 = arith.constant 2 : i32
    %mul3A_125 = arith.muli %select_n3A_9, %mul3A_124 : i32
    %add3A_126 = arith.constant 1 : i32
    %add3A_127 = arith.addi %mul3A_125, %add3A_126 : i32
    %add3A_128 = arith.constant 8 : i32
    %add3A_129 = arith.addi %add3A_127, %add3A_128 : i32
    "tpu.region"() ({
      %run_scoped3A = tpu.sem_alloc : memref<!tpu.dma_semaphore, #tpu.memory_space<semaphore_mem>>
      %dma_start3A_130 = arith.constant 0 : i32
      %dma_start3A_131 = tpu.memref_slice %arg5[%select_n3A_30, %add3A_129, %dma_start3A_130] : memref<8x16x10000xf32, #tpu.memory_space<hbm>> -> memref<1x1x10000xf32, #tpu.memory_space<hbm>>
      %dma_start3A_132 = tpu.memref_squeeze %dma_start3A_131 : memref<1x1x10000xf32, #tpu.memory_space<hbm>> -> memref<10000xf32, #tpu.memory_space<hbm>>
      %dma_start3A_133 = arith.constant 0 : i32
      %dma_start3A_134 = tpu.memref_slice %arg5[%select_n3A_30, %add3A_129, %dma_start3A_133] : memref<8x16x10000xf32, #tpu.memory_space<hbm>> -> memref<1x1x10000xf32, #tpu.memory_space<hbm>>
      %dma_start3A_135 = tpu.memref_squeeze %dma_start3A_134 : memref<1x1x10000xf32, #tpu.memory_space<hbm>> -> memref<10000xf32, #tpu.memory_space<hbm>>
      tpu.enqueue_dma source(%arg13 : memref<10000xf32, #tpu.memory_space<vmem>>) target(%dma_start3A_135 : memref<10000xf32, #tpu.memory_space<hbm>>) target_semaphore(%run_scoped3A : memref<!tpu.dma_semaphore, #tpu.memory_space<semaphore_mem>>)
      %dma_wait3A_136 = arith.constant 0 : i32
      %dma_wait3A_137 = tpu.memref_slice %arg5[%select_n3A_30, %add3A_129, %dma_wait3A_136] : memref<8x16x10000xf32, #tpu.memory_space<hbm>> -> memref<1x1x10000xf32, #tpu.memory_space<hbm>>
      %dma_wait3A_138 = tpu.memref_squeeze %dma_wait3A_137 : memref<1x1x10000xf32, #tpu.memory_space<hbm>> -> memref<10000xf32, #tpu.memory_space<hbm>>
      %dma_wait3A_139 = arith.constant 0 : i32
      %dma_wait3A_140 = tpu.memref_slice %arg5[%select_n3A_30, %add3A_129, %dma_wait3A_139] : memref<8x16x10000xf32, #tpu.memory_space<hbm>> -> memref<1x1x10000xf32, #tpu.memory_space<hbm>>
      %dma_wait3A_141 = tpu.memref_squeeze %dma_wait3A_140 : memref<1x1x10000xf32, #tpu.memory_space<hbm>> -> memref<10000xf32, #tpu.memory_space<hbm>>
      tpu.wait_dma2 semaphore(%run_scoped3A : memref<!tpu.dma_semaphore, #tpu.memory_space<semaphore_mem>>) src(%arg13 : memref<10000xf32, #tpu.memory_space<vmem>>) dst(%dma_wait3A_141 : memref<10000xf32, #tpu.memory_space<hbm>>)
      tpu.yield
    }) : () -> ()
    "tpu.region"() ({
      %run_scoped3A = tpu.sem_alloc : memref<!tpu.dma_semaphore, #tpu.memory_space<semaphore_mem>>
      %dma_start3A_130 = arith.constant 0 : i32
      %dma_start3A_131 = tpu.memref_slice %arg6[%add3A, %dma_start3A_130] : memref<32x10000xf32, #tpu.memory_space<hbm>> -> memref<1x10000xf32, #tpu.memory_space<hbm>>
      %dma_start3A_132 = tpu.memref_squeeze %dma_start3A_131 : memref<1x10000xf32, #tpu.memory_space<hbm>> -> memref<10000xf32, #tpu.memory_space<hbm>>
      %dma_start3A_133 = arith.constant 0 : i32
      %dma_start3A_134 = tpu.memref_slice %arg6[%add3A, %dma_start3A_133] : memref<32x10000xf32, #tpu.memory_space<hbm>> -> memref<1x10000xf32, #tpu.memory_space<hbm>>
      %dma_start3A_135 = tpu.memref_squeeze %dma_start3A_134 : memref<1x10000xf32, #tpu.memory_space<hbm>> -> memref<10000xf32, #tpu.memory_space<hbm>>
      tpu.enqueue_dma source(%arg14 : memref<10000xf32, #tpu.memory_space<vmem>>) target(%dma_start3A_135 : memref<10000xf32, #tpu.memory_space<hbm>>) target_semaphore(%run_scoped3A : memref<!tpu.dma_semaphore, #tpu.memory_space<semaphore_mem>>)
      %dma_wait3A_136 = arith.constant 0 : i32
      %dma_wait3A_137 = tpu.memref_slice %arg6[%add3A, %dma_wait3A_136] : memref<32x10000xf32, #tpu.memory_space<hbm>> -> memref<1x10000xf32, #tpu.memory_space<hbm>>
      %dma_wait3A_138 = tpu.memref_squeeze %dma_wait3A_137 : memref<1x10000xf32, #tpu.memory_space<hbm>> -> memref<10000xf32, #tpu.memory_space<hbm>>
      %dma_wait3A_139 = arith.constant 0 : i32
      %dma_wait3A_140 = tpu.memref_slice %arg6[%add3A, %dma_wait3A_139] : memref<32x10000xf32, #tpu.memory_space<hbm>> -> memref<1x10000xf32, #tpu.memory_space<hbm>>
      %dma_wait3A_141 = tpu.memref_squeeze %dma_wait3A_140 : memref<1x10000xf32, #tpu.memory_space<hbm>> -> memref<10000xf32, #tpu.memory_space<hbm>>
      tpu.wait_dma2 semaphore(%run_scoped3A : memref<!tpu.dma_semaphore, #tpu.memory_space<semaphore_mem>>) src(%arg14 : memref<10000xf32, #tpu.memory_space<vmem>>) dst(%dma_wait3A_141 : memref<10000xf32, #tpu.memory_space<hbm>>)
      tpu.yield
    }) : () -> ()
    return
  }
}

#map = affine_map<(d0, d1) -> (0, 0)>
module attributes {stable_mosaic.version = 14 : i64} {
  func.func @_sc_degree(%arg0: i32, %arg1: i32, %arg2: memref<2x320000xi32, #tpu.memory_space<hbm>>, %arg3: memref<32x10000xf32, #tpu.memory_space<hbm>>, %arg4: memref<2x9984xi32, #tpu.memory_space<vmem>>, %arg5: memref<2x512xi32, #tpu.memory_space<vmem>>, %arg6: memref<10000xf32, #tpu.memory_space<vmem>>, %arg7: memref<!tpu.dma_semaphore, #tpu.memory_space<semaphore_mem>>) attributes {dimension_semantics = [#tpu.dimension_semantics<core_parallel>, #tpu.dimension_semantics<subcore_parallel>], iteration_bounds = array<i64: 2, 16>, scalar_prefetch = 0 : i64, scratch_operands = 4 : i64, tpu.core_type = #tpu.core_type<sc_vector_subcore>, window_params = [{transform_indices = #map}, {transform_indices = #map}]} {
    %mul3A = arith.constant 2 : i32
    %mul3A_0 = arith.muli %arg1, %mul3A : i32
    %add3A = arith.addi %mul3A_0, %arg0 : i32
    %mul3A_1 = arith.constant 9984 : i32
    %mul3A_2 = arith.muli %add3A, %mul3A_1 : i32
    %dma_start3A = arith.constant 0 : i32
    %dma_start3A_3 = tpu.memref_slice %arg2[%dma_start3A, %mul3A_2] : memref<2x320000xi32, #tpu.memory_space<hbm>> -> memref<2x9984xi32, #tpu.memory_space<hbm>>
    %dma_start3A_4 = arith.constant 0 : i32
    %dma_start3A_5 = tpu.memref_slice %arg2[%dma_start3A_4, %mul3A_2] : memref<2x320000xi32, #tpu.memory_space<hbm>> -> memref<2x9984xi32, #tpu.memory_space<hbm>>
    tpu.enqueue_dma source(%dma_start3A_5 : memref<2x9984xi32, #tpu.memory_space<hbm>>) target(%arg4 : memref<2x9984xi32, #tpu.memory_space<vmem>>) target_semaphore(%arg7 : memref<!tpu.dma_semaphore, #tpu.memory_space<semaphore_mem>>)
    %broadcast_in_dim3A = arith.constant 0.000000e+00 : f32
    %broadcast_in_dim3A_6 = vector.broadcast %broadcast_in_dim3A : f32 to vector<16xf32>
    %scan3A = arith.constant 0 : i32
    %scan3A_7 = arith.constant 624 : i32
    %scan3A_8 = arith.addi %scan3A, %scan3A_7 : i32
    %scan3A_9 = arith.constant 8 : i32
    scf.for %scan3A_29 = %scan3A to %scan3A_8 step %scan3A_9  : i32 {
      %mul3A_30 = arith.constant 1 : i32
      %mul3A_31 = arith.muli %scan3A_29, %mul3A_30 : i32
      %add3A_32 = arith.constant 0 : i32
      %add3A_33 = arith.addi %add3A_32, %mul3A_31 : i32
      %mul3A_34 = arith.constant 16 : i32
      %mul3A_35 = arith.muli %add3A_33, %mul3A_34 : i32
      %swap3A_36 = arith.index_cast %mul3A_35 : i32 to index
      %swap3A_37 = tpu.vector_load %arg6[%swap3A_36] {strides = array<i32>} : memref<10000xf32, #tpu.memory_space<vmem>>, vector<16xf32>,
      tpu.vector_store %arg6[%swap3A_36], %broadcast_in_dim3A_6 {strides = array<i32>} : memref<10000xf32, #tpu.memory_space<vmem>>, vector<16xf32>,
      %scan3A_38 = arith.constant 1 : i32
      %scan3A_39 = arith.addi %scan3A_29, %scan3A_38 : i32
      %mul3A_40 = arith.constant 1 : i32
      %mul3A_41 = arith.muli %scan3A_39, %mul3A_40 : i32
      %add3A_42 = arith.constant 0 : i32
      %add3A_43 = arith.addi %add3A_42, %mul3A_41 : i32
      %mul3A_44 = arith.constant 16 : i32
      %mul3A_45 = arith.muli %add3A_43, %mul3A_44 : i32
      %swap3A_46 = arith.index_cast %mul3A_45 : i32 to index
      %swap3A_47 = tpu.vector_load %arg6[%swap3A_46] {strides = array<i32>} : memref<10000xf32, #tpu.memory_space<vmem>>, vector<16xf32>,
      tpu.vector_store %arg6[%swap3A_46], %broadcast_in_dim3A_6 {strides = array<i32>} : memref<10000xf32, #tpu.memory_space<vmem>>, vector<16xf32>,
      %scan3A_48 = arith.constant 2 : i32
      %scan3A_49 = arith.addi %scan3A_29, %scan3A_48 : i32
      %mul3A_50 = arith.constant 1 : i32
      %mul3A_51 = arith.muli %scan3A_49, %mul3A_50 : i32
      %add3A_52 = arith.constant 0 : i32
      %add3A_53 = arith.addi %add3A_52, %mul3A_51 : i32
      %mul3A_54 = arith.constant 16 : i32
      %mul3A_55 = arith.muli %add3A_53, %mul3A_54 : i32
      %swap3A_56 = arith.index_cast %mul3A_55 : i32 to index
      %swap3A_57 = tpu.vector_load %arg6[%swap3A_56] {strides = array<i32>} : memref<10000xf32, #tpu.memory_space<vmem>>, vector<16xf32>,
      tpu.vector_store %arg6[%swap3A_56], %broadcast_in_dim3A_6 {strides = array<i32>} : memref<10000xf32, #tpu.memory_space<vmem>>, vector<16xf32>,
      %scan3A_58 = arith.constant 3 : i32
      %scan3A_59 = arith.addi %scan3A_29, %scan3A_58 : i32
      %mul3A_60 = arith.constant 1 : i32
      %mul3A_61 = arith.muli %scan3A_59, %mul3A_60 : i32
      %add3A_62 = arith.constant 0 : i32
      %add3A_63 = arith.addi %add3A_62, %mul3A_61 : i32
      %mul3A_64 = arith.constant 16 : i32
      %mul3A_65 = arith.muli %add3A_63, %mul3A_64 : i32
      %swap3A_66 = arith.index_cast %mul3A_65 : i32 to index
      %swap3A_67 = tpu.vector_load %arg6[%swap3A_66] {strides = array<i32>} : memref<10000xf32, #tpu.memory_space<vmem>>, vector<16xf32>,
      tpu.vector_store %arg6[%swap3A_66], %broadcast_in_dim3A_6 {strides = array<i32>} : memref<10000xf32, #tpu.memory_space<vmem>>, vector<16xf32>,
      %scan3A_68 = arith.constant 4 : i32
      %scan3A_69 = arith.addi %scan3A_29, %scan3A_68 : i32
      %mul3A_70 = arith.constant 1 : i32
      %mul3A_71 = arith.muli %scan3A_69, %mul3A_70 : i32
      %add3A_72 = arith.constant 0 : i32
      %add3A_73 = arith.addi %add3A_72, %mul3A_71 : i32
      %mul3A_74 = arith.constant 16 : i32
      %mul3A_75 = arith.muli %add3A_73, %mul3A_74 : i32
      %swap3A_76 = arith.index_cast %mul3A_75 : i32 to index
      %swap3A_77 = tpu.vector_load %arg6[%swap3A_76] {strides = array<i32>} : memref<10000xf32, #tpu.memory_space<vmem>>, vector<16xf32>,
      tpu.vector_store %arg6[%swap3A_76], %broadcast_in_dim3A_6 {strides = array<i32>} : memref<10000xf32, #tpu.memory_space<vmem>>, vector<16xf32>,
      %scan3A_78 = arith.constant 5 : i32
      %scan3A_79 = arith.addi %scan3A_29, %scan3A_78 : i32
      %mul3A_80 = arith.constant 1 : i32
      %mul3A_81 = arith.muli %scan3A_79, %mul3A_80 : i32
      %add3A_82 = arith.constant 0 : i32
      %add3A_83 = arith.addi %add3A_82, %mul3A_81 : i32
      %mul3A_84 = arith.constant 16 : i32
      %mul3A_85 = arith.muli %add3A_83, %mul3A_84 : i32
      %swap3A_86 = arith.index_cast %mul3A_85 : i32 to index
      %swap3A_87 = tpu.vector_load %arg6[%swap3A_86] {strides = array<i32>} : memref<10000xf32, #tpu.memory_space<vmem>>, vector<16xf32>,
      tpu.vector_store %arg6[%swap3A_86], %broadcast_in_dim3A_6 {strides = array<i32>} : memref<10000xf32, #tpu.memory_space<vmem>>, vector<16xf32>,
      %scan3A_88 = arith.constant 6 : i32
      %scan3A_89 = arith.addi %scan3A_29, %scan3A_88 : i32
      %mul3A_90 = arith.constant 1 : i32
      %mul3A_91 = arith.muli %scan3A_89, %mul3A_90 : i32
      %add3A_92 = arith.constant 0 : i32
      %add3A_93 = arith.addi %add3A_92, %mul3A_91 : i32
      %mul3A_94 = arith.constant 16 : i32
      %mul3A_95 = arith.muli %add3A_93, %mul3A_94 : i32
      %swap3A_96 = arith.index_cast %mul3A_95 : i32 to index
      %swap3A_97 = tpu.vector_load %arg6[%swap3A_96] {strides = array<i32>} : memref<10000xf32, #tpu.memory_space<vmem>>, vector<16xf32>,
      tpu.vector_store %arg6[%swap3A_96], %broadcast_in_dim3A_6 {strides = array<i32>} : memref<10000xf32, #tpu.memory_space<vmem>>, vector<16xf32>,
      %scan3A_98 = arith.constant 7 : i32
      %scan3A_99 = arith.addi %scan3A_29, %scan3A_98 : i32
      %mul3A_100 = arith.constant 1 : i32
      %mul3A_101 = arith.muli %scan3A_99, %mul3A_100 : i32
      %add3A_102 = arith.constant 0 : i32
      %add3A_103 = arith.addi %add3A_102, %mul3A_101 : i32
      %mul3A_104 = arith.constant 16 : i32
      %mul3A_105 = arith.muli %add3A_103, %mul3A_104 : i32
      %swap3A_106 = arith.index_cast %mul3A_105 : i32 to index
      %swap3A_107 = tpu.vector_load %arg6[%swap3A_106] {strides = array<i32>} : memref<10000xf32, #tpu.memory_space<vmem>>, vector<16xf32>,
      tpu.vector_store %arg6[%swap3A_106], %broadcast_in_dim3A_6 {strides = array<i32>} : memref<10000xf32, #tpu.memory_space<vmem>>, vector<16xf32>,
    }
    %scan3A_10 = arith.constant 624 : i32
    %scan3A_11 = arith.addi %scan3A, %scan3A_10 : i32
    %mul3A_12 = arith.constant 1 : i32
    %mul3A_13 = arith.muli %scan3A_11, %mul3A_12 : i32
    %add3A_14 = arith.constant 0 : i32
    %add3A_15 = arith.addi %add3A_14, %mul3A_13 : i32
    %mul3A_16 = arith.constant 16 : i32
    %mul3A_17 = arith.muli %add3A_15, %mul3A_16 : i32
    %swap3A = arith.index_cast %mul3A_17 : i32 to index
    %swap3A_18 = tpu.vector_load %arg6[%swap3A] {strides = array<i32>} : memref<10000xf32, #tpu.memory_space<vmem>>, vector<16xf32>,
    tpu.vector_store %arg6[%swap3A], %broadcast_in_dim3A_6 {strides = array<i32>} : memref<10000xf32, #tpu.memory_space<vmem>>, vector<16xf32>,
    %scan3A_19 = arith.constant 625 : i32
    %dma_wait3A = arith.constant 0 : i32
    %dma_wait3A_20 = tpu.memref_slice %arg2[%dma_wait3A, %mul3A_2] : memref<2x320000xi32, #tpu.memory_space<hbm>> -> memref<2x9984xi32, #tpu.memory_space<hbm>>
    %dma_wait3A_21 = arith.constant 0 : i32
    %dma_wait3A_22 = tpu.memref_slice %arg2[%dma_wait3A_21, %mul3A_2] : memref<2x320000xi32, #tpu.memory_space<hbm>> -> memref<2x9984xi32, #tpu.memory_space<hbm>>
    tpu.wait_dma2 semaphore(%arg7 : memref<!tpu.dma_semaphore, #tpu.memory_space<semaphore_mem>>) src(%dma_wait3A_22 : memref<2x9984xi32, #tpu.memory_space<hbm>>) dst(%arg4 : memref<2x9984xi32, #tpu.memory_space<vmem>>)
    %broadcast_in_dim3A_23 = arith.constant 1.000000e+00 : f32
    %broadcast_in_dim3A_24 = vector.broadcast %broadcast_in_dim3A_23 : f32 to vector<16xf32>
    %parallel_loop3A = arith.constant 0 : i32
    %parallel_loop3A_25 = arith.constant 624 : i32
    %parallel_loop3A_26 = arith.constant 1 : i32
    scf.for %parallel_loop3A_29 = %parallel_loop3A to %parallel_loop3A_25 step %parallel_loop3A_26  : i32 {
      %parallel_loop3A_30 = arith.constant 16 : i32
      %parallel_loop3A_31 = arith.muli %parallel_loop3A_29, %parallel_loop3A_30 : i32
      %parallel_loop3A_32 = arith.constant 1 : i32
      %parallel_loop3A_33 = arith.index_cast %parallel_loop3A_32 : i32 to index
      %parallel_loop3A_34 = arith.index_cast %parallel_loop3A_31 : i32 to index
      %parallel_loop3A_35 = tpu.vector_load %arg4[%parallel_loop3A_33, %parallel_loop3A_34] {strides = array<i32>} : memref<2x9984xi32, #tpu.memory_space<vmem>>, vector<16xi32>,
      tpu.vector_store_idx %arg6[%parallel_loop3A_35], %broadcast_in_dim3A_24 {add = true} : memref<10000xf32, #tpu.memory_space<vmem>>[vector<16xi32>], vector<16xf32>,
    } {sc.loop_unroll_factor = 8 : i64, sc.parallel_access}
    %eq3A = arith.constant 0 : i32
    %eq3A_27 = arith.cmpi eq, %add3A, %eq3A : i32
    %convert_element_type3A = arith.extui %eq3A_27 : i1 to i32
    %cond3A = arith.constant 0 : i32
    %cond3A_28 = arith.cmpi ne, %convert_element_type3A, %cond3A : i32
    scf.if %cond3A_28 {
      "tpu.region"() ({
        %run_scoped3A = tpu.sem_alloc : memref<!tpu.dma_semaphore, #tpu.memory_space<semaphore_mem>>
        %dma_start3A_34 = arith.constant 0 : i32
        %dma_start3A_35 = arith.constant 319488 : i32
        %dma_start3A_36 = tpu.memref_slice %arg2[%dma_start3A_34, %dma_start3A_35] : memref<2x320000xi32, #tpu.memory_space<hbm>> -> memref<2x512xi32, #tpu.memory_space<hbm>>
        %dma_start3A_37 = arith.constant 0 : i32
        %dma_start3A_38 = arith.constant 319488 : i32
        %dma_start3A_39 = tpu.memref_slice %arg2[%dma_start3A_37, %dma_start3A_38] : memref<2x320000xi32, #tpu.memory_space<hbm>> -> memref<2x512xi32, #tpu.memory_space<hbm>>
        tpu.enqueue_dma source(%dma_start3A_39 : memref<2x512xi32, #tpu.memory_space<hbm>>) target(%arg5 : memref<2x512xi32, #tpu.memory_space<vmem>>) target_semaphore(%run_scoped3A : memref<!tpu.dma_semaphore, #tpu.memory_space<semaphore_mem>>)
        %dma_wait3A_40 = arith.constant 0 : i32
        %dma_wait3A_41 = arith.constant 319488 : i32
        %dma_wait3A_42 = tpu.memref_slice %arg2[%dma_wait3A_40, %dma_wait3A_41] : memref<2x320000xi32, #tpu.memory_space<hbm>> -> memref<2x512xi32, #tpu.memory_space<hbm>>
        %dma_wait3A_43 = arith.constant 0 : i32
        %dma_wait3A_44 = arith.constant 319488 : i32
        %dma_wait3A_45 = tpu.memref_slice %arg2[%dma_wait3A_43, %dma_wait3A_44] : memref<2x320000xi32, #tpu.memory_space<hbm>> -> memref<2x512xi32, #tpu.memory_space<hbm>>
        tpu.wait_dma2 semaphore(%run_scoped3A : memref<!tpu.dma_semaphore, #tpu.memory_space<semaphore_mem>>) src(%dma_wait3A_45 : memref<2x512xi32, #tpu.memory_space<hbm>>) dst(%arg5 : memref<2x512xi32, #tpu.memory_space<vmem>>)
        tpu.yield
      }) : () -> ()
      %scan3A_29 = arith.constant 0 : i32
      %scan3A_30 = arith.constant 32 : i32
      %scan3A_31 = arith.addi %scan3A_29, %scan3A_30 : i32
      %scan3A_32 = arith.constant 1 : i32
      scf.for %scan3A_34 = %scan3A_29 to %scan3A_31 step %scan3A_32  : i32 {
        %mul3A_35 = arith.constant 1 : i32
        %mul3A_36 = arith.muli %scan3A_34, %mul3A_35 : i32
        %add3A_37 = arith.constant 0 : i32
        %add3A_38 = arith.addi %add3A_37, %mul3A_36 : i32
        %mul3A_39 = arith.constant 16 : i32
        %mul3A_40 = arith.muli %add3A_38, %mul3A_39 : i32
        %get3A = arith.constant 1 : i32
        %get3A_41 = arith.index_cast %get3A : i32 to index
        %get3A_42 = arith.index_cast %mul3A_40 : i32 to index
        %get3A_43 = tpu.vector_load %arg5[%get3A_41, %get3A_42] {strides = array<i32>} : memref<2x512xi32, #tpu.memory_space<vmem>>, vector<16xi32>,
        tpu.vector_store_idx %arg6[%get3A_43], %broadcast_in_dim3A_24 {add = true} : memref<10000xf32, #tpu.memory_space<vmem>>[vector<16xi32>], vector<16xf32>,
      }
      %scan3A_33 = arith.constant 32 : i32
    } else {
    }
    "tpu.region"() ({
      %run_scoped3A = tpu.sem_alloc : memref<!tpu.dma_semaphore, #tpu.memory_space<semaphore_mem>>
      %dma_start3A_29 = arith.constant 0 : i32
      %dma_start3A_30 = tpu.memref_slice %arg3[%add3A, %dma_start3A_29] : memref<32x10000xf32, #tpu.memory_space<hbm>> -> memref<1x10000xf32, #tpu.memory_space<hbm>>
      %dma_start3A_31 = tpu.memref_squeeze %dma_start3A_30 : memref<1x10000xf32, #tpu.memory_space<hbm>> -> memref<10000xf32, #tpu.memory_space<hbm>>
      %dma_start3A_32 = arith.constant 0 : i32
      %dma_start3A_33 = tpu.memref_slice %arg3[%add3A, %dma_start3A_32] : memref<32x10000xf32, #tpu.memory_space<hbm>> -> memref<1x10000xf32, #tpu.memory_space<hbm>>
      %dma_start3A_34 = tpu.memref_squeeze %dma_start3A_33 : memref<1x10000xf32, #tpu.memory_space<hbm>> -> memref<10000xf32, #tpu.memory_space<hbm>>
      tpu.enqueue_dma source(%arg6 : memref<10000xf32, #tpu.memory_space<vmem>>) target(%dma_start3A_34 : memref<10000xf32, #tpu.memory_space<hbm>>) target_semaphore(%run_scoped3A : memref<!tpu.dma_semaphore, #tpu.memory_space<semaphore_mem>>)
      %dma_wait3A_35 = arith.constant 0 : i32
      %dma_wait3A_36 = tpu.memref_slice %arg3[%add3A, %dma_wait3A_35] : memref<32x10000xf32, #tpu.memory_space<hbm>> -> memref<1x10000xf32, #tpu.memory_space<hbm>>
      %dma_wait3A_37 = tpu.memref_squeeze %dma_wait3A_36 : memref<1x10000xf32, #tpu.memory_space<hbm>> -> memref<10000xf32, #tpu.memory_space<hbm>>
      %dma_wait3A_38 = arith.constant 0 : i32
      %dma_wait3A_39 = tpu.memref_slice %arg3[%add3A, %dma_wait3A_38] : memref<32x10000xf32, #tpu.memory_space<hbm>> -> memref<1x10000xf32, #tpu.memory_space<hbm>>
      %dma_wait3A_40 = tpu.memref_squeeze %dma_wait3A_39 : memref<1x10000xf32, #tpu.memory_space<hbm>> -> memref<10000xf32, #tpu.memory_space<hbm>>
      tpu.wait_dma2 semaphore(%run_scoped3A : memref<!tpu.dma_semaphore, #tpu.memory_space<semaphore_mem>>) src(%arg6 : memref<10000xf32, #tpu.memory_space<vmem>>) dst(%dma_wait3A_40 : memref<10000xf32, #tpu.memory_space<hbm>>)
      tpu.yield
    }) : () -> ()
    return
  }
}

module attributes {stable_mosaic.version = 14 : i64} {
  func.func @_tc_matmul_body(%arg0: memref<10000x128xf32, #tpu.memory_space<vmem>>, %arg1: memref<128x16xf32, #tpu.memory_space<vmem>>, %arg2: memref<10000x16xf32, #tpu.memory_space<vmem>>) attributes {dimension_semantics = [], scalar_prefetch = 0 : i64, scratch_operands = 0 : i64, tpu.core_type = #tpu.core_type<tc>} {
    %get3A = arith.constant 0 : index
    %get3A_0 = arith.constant 0 : index
    %get3A_1 = vector.load %arg0[%get3A, %get3A_0] : memref<10000x128xf32, #tpu.memory_space<vmem>>, vector<10000x128xf32>
    %get3A_2 = arith.constant 0 : index
    %get3A_3 = arith.constant 0 : index
    %get3A_4 = vector.load %arg1[%get3A_2, %get3A_3] : memref<128x16xf32, #tpu.memory_space<vmem>>, vector<128x16xf32>
    %dot_general3A = arith.constant dense<0.000000e+00> : vector<10000x16xf32>
    %dot_general3A_5 = tpu.matmul %get3A_1, %get3A_4, %dot_general3A {dimension_numbers = #tpu.dot_dimension_numbers<[1], [0], [0], [1], [0, 0, 1, 1], [], []>, transpose_lhs_hint = false} : vector<10000x128xf32>, vector<128x16xf32>, vector<10000x16xf32> -> vector<10000x16xf32>
    %swap3A = arith.constant 0 : index
    %swap3A_6 = arith.constant 0 : index
    %swap3A_7 = vector.load %arg2[%swap3A, %swap3A_6] : memref<10000x16xf32, #tpu.memory_space<vmem>>, vector<10000x16xf32>
    tpu.vector_store %arg2[%swap3A, %swap3A_6], %dot_general3A_5 {strides = array<i32>} : memref<10000x16xf32, #tpu.memory_space<vmem>>, vector<10000x16xf32>,
    return
  }
}

module attributes {stable_mosaic.version = 14 : i64} {
  func.func @_tc_scale_body(%arg0: memref<32x10000xf32, #tpu.memory_space<vmem>>, %arg1: memref<10000x16xf32, #tpu.memory_space<vmem>>, %arg2: memref<1x10000xf32, #tpu.memory_space<vmem>>, %arg3: memref<16x10000xf32, #tpu.memory_space<vmem>>, %arg4: memref<8x10000xi32, #tpu.memory_space<vmem>>) attributes {dimension_semantics = [], scalar_prefetch = 0 : i64, scratch_operands = 0 : i64, tpu.core_type = #tpu.core_type<tc>} {
    %get3A = arith.constant 0 : index
    %get3A_0 = arith.constant 0 : index
    %get3A_1 = vector.load %arg0[%get3A, %get3A_0] : memref<32x10000xf32, #tpu.memory_space<vmem>>, vector<32x10000xf32>
    %reduce_sum3A = arith.constant dense<0.000000e+00> : vector<10000xf32>
    %reduce_sum3A_2 = vector.multi_reduction <add>, %get3A_1, %reduce_sum3A [0] : vector<32x10000xf32> to vector<10000xf32>
    %broadcast_in_dim3A = vector.shape_cast %reduce_sum3A_2 : vector<10000xf32> to vector<1x10000xf32>
    %add3A = arith.constant 1.000000e+00 : f32
    %add3A_3 = vector.broadcast %add3A : f32 to vector<1x10000xf32>
    %add3A_4 = arith.addf %broadcast_in_dim3A, %add3A_3 : vector<1x10000xf32>
    %rsqrt3A = math.rsqrt %add3A_4 : vector<1x10000xf32>
    %swap3A = arith.constant 0 : index
    %swap3A_5 = arith.constant 0 : index
    %swap3A_6 = vector.load %arg2[%swap3A, %swap3A_5] : memref<1x10000xf32, #tpu.memory_space<vmem>>, vector<1x10000xf32>
    tpu.vector_store %arg2[%swap3A, %swap3A_5], %rsqrt3A {strides = array<i32>} : memref<1x10000xf32, #tpu.memory_space<vmem>>, vector<1x10000xf32>,
    %get3A_7 = arith.constant 0 : index
    %get3A_8 = arith.constant 0 : index
    %get3A_9 = vector.load %arg1[%get3A_7, %get3A_8] : memref<10000x16xf32, #tpu.memory_space<vmem>>, vector<10000x16xf32>
    %transpose3A = tpu.transpose %get3A_9, [1, 0] : vector<10000x16xf32> -> vector<16x10000xf32>
    %mul3A = vector.broadcast %rsqrt3A : vector<1x10000xf32> to vector<16x10000xf32>
    %mul3A_10 = arith.mulf %mul3A, %transpose3A : vector<16x10000xf32>
    %swap3A_11 = arith.constant 0 : index
    %swap3A_12 = arith.constant 0 : index
    %swap3A_13 = vector.load %arg3[%swap3A_11, %swap3A_12] : memref<16x10000xf32, #tpu.memory_space<vmem>>, vector<16x10000xf32>
    tpu.vector_store %arg3[%swap3A_11, %swap3A_12], %mul3A_10 {strides = array<i32>} : memref<16x10000xf32, #tpu.memory_space<vmem>>, vector<16x10000xf32>,
    %slice3A = vector.extract_strided_slice %mul3A_10 {offsets = [0, 0], sizes = [8, 10000], strides = [1, 1]} : vector<16x10000xf32> to vector<8x10000xf32>
    %convert_element_type3A = arith.truncf %slice3A : vector<8x10000xf32> to vector<8x10000xbf16>
    %bitcast_convert_type3A = tpu.bitcast %convert_element_type3A : vector<8x10000xbf16> -> vector<8x10000xi16>
    %slice3A_14 = vector.extract_strided_slice %mul3A_10 {offsets = [8, 0], sizes = [8, 10000], strides = [1, 1]} : vector<16x10000xf32> to vector<8x10000xf32>
    %convert_element_type3A_15 = arith.truncf %slice3A_14 : vector<8x10000xf32> to vector<8x10000xbf16>
    %bitcast_convert_type3A_16 = tpu.bitcast %convert_element_type3A_15 : vector<8x10000xbf16> -> vector<8x10000xi16>
    %convert_element_type3A_17 = arith.extui %bitcast_convert_type3A_16 : vector<8x10000xi16> to vector<8x10000xi32>
    %shift_left3A = arith.constant 16 : i32
    %shift_left3A_18 = vector.broadcast %shift_left3A : i32 to vector<8x10000xi32>
    %shift_left3A_19 = arith.shli %convert_element_type3A_17, %shift_left3A_18 : vector<8x10000xi32>
    %convert_element_type3A_20 = arith.extui %bitcast_convert_type3A : vector<8x10000xi16> to vector<8x10000xi32>
    %or3A = arith.ori %shift_left3A_19, %convert_element_type3A_20 : vector<8x10000xi32>
    %bitcast_convert_type3A_21 = tpu.bitcast %or3A : vector<8x10000xi32> -> vector<8x10000xi32>
    %swap3A_22 = arith.constant 0 : index
    %swap3A_23 = arith.constant 0 : index
    %swap3A_24 = vector.load %arg4[%swap3A_22, %swap3A_23] : memref<8x10000xi32, #tpu.memory_space<vmem>>, vector<8x10000xi32>
    tpu.vector_store %arg4[%swap3A_22, %swap3A_23], %bitcast_convert_type3A_21 {strides = array<i32>} : memref<8x10000xi32, #tpu.memory_space<vmem>>, vector<8x10000xi32>,
    return
  }
}

module attributes {stable_mosaic.version = 14 : i64} {
  func.func @_tc_finish_body(%arg0: memref<8x16x10000xf32, #tpu.memory_space<vmem>>, %arg1: memref<32x10000xf32, #tpu.memory_space<vmem>>, %arg2: memref<1x10000xf32, #tpu.memory_space<vmem>>, %arg3: memref<16x10000xf32, #tpu.memory_space<vmem>>, %arg4: memref<16x1xf32, #tpu.memory_space<vmem>>, %arg5: memref<16x10xf32, #tpu.memory_space<vmem>>, %arg6: memref<1x10xf32, #tpu.memory_space<vmem>>, %arg7: memref<1x10xf32, #tpu.memory_space<vmem>>) attributes {dimension_semantics = [], scalar_prefetch = 0 : i64, scratch_operands = 0 : i64, tpu.core_type = #tpu.core_type<tc>} {
    %get3A = arith.constant 0 : index
    %get3A_0 = arith.constant 0 : index
    %get3A_1 = vector.load %arg2[%get3A, %get3A_0] : memref<1x10000xf32, #tpu.memory_space<vmem>>, vector<1x10000xf32>
    %get3A_2 = arith.constant 0 : index
    %get3A_3 = arith.constant 0 : index
    %get3A_4 = arith.constant 0 : index
    %get3A_5 = vector.load %arg0[%get3A_2, %get3A_3, %get3A_4] : memref<8x16x10000xf32, #tpu.memory_space<vmem>>, vector<8x16x10000xf32>
    %reduce_sum3A = arith.constant dense<0.000000e+00> : vector<16x10000xf32>
    %reduce_sum3A_6 = vector.multi_reduction <add>, %get3A_5, %reduce_sum3A [0] : vector<8x16x10000xf32> to vector<16x10000xf32>
    %get3A_7 = arith.constant 0 : index
    %get3A_8 = arith.constant 0 : index
    %get3A_9 = vector.load %arg3[%get3A_7, %get3A_8] : memref<16x10000xf32, #tpu.memory_space<vmem>>, vector<16x10000xf32>
    %mul3A = vector.broadcast %get3A_1 : vector<1x10000xf32> to vector<16x10000xf32>
    %mul3A_10 = arith.mulf %mul3A, %get3A_9 : vector<16x10000xf32>
    %add3A = arith.addf %reduce_sum3A_6, %mul3A_10 : vector<16x10000xf32>
    %get3A_11 = arith.constant 0 : index
    %get3A_12 = arith.constant 0 : index
    %get3A_13 = vector.load %arg4[%get3A_11, %get3A_12] : memref<16x1xf32, #tpu.memory_space<vmem>>, vector<16x1xf32>
    %add3A_14 = vector.broadcast %get3A_13 : vector<16x1xf32> to vector<16x10000xf32>
    %add3A_15 = arith.addf %add3A, %add3A_14 : vector<16x10000xf32>
    %max3A = arith.constant 0.000000e+00 : f32
    %max3A_16 = vector.broadcast %max3A : f32 to vector<16x10000xf32>
    %max3A_17 = arith.maximumf %add3A_15, %max3A_16 : vector<16x10000xf32>
    %get3A_18 = arith.constant 0 : index
    %get3A_19 = arith.constant 0 : index
    %get3A_20 = vector.load %arg1[%get3A_18, %get3A_19] : memref<32x10000xf32, #tpu.memory_space<vmem>>, vector<32x10000xf32>
    %reduce_sum3A_21 = arith.constant dense<0.000000e+00> : vector<10000xf32>
    %reduce_sum3A_22 = vector.multi_reduction <add>, %get3A_20, %reduce_sum3A_21 [0] : vector<32x10000xf32> to vector<10000xf32>
    %broadcast_in_dim3A = vector.shape_cast %reduce_sum3A_22 : vector<10000xf32> to vector<1x10000xf32>
    %add3A_23 = arith.addf %broadcast_in_dim3A, %get3A_1 : vector<1x10000xf32>
    %mul3A_24 = arith.mulf %get3A_1, %add3A_23 : vector<1x10000xf32>
    %mul3A_25 = vector.broadcast %mul3A_24 : vector<1x10000xf32> to vector<16x10000xf32>
    %mul3A_26 = arith.mulf %max3A_17, %mul3A_25 : vector<16x10000xf32>
    %reduce_sum3A_27 = arith.constant dense<0.000000e+00> : vector<16xf32>
    %reduce_sum3A_28 = vector.multi_reduction <add>, %mul3A_26, %reduce_sum3A_27 [1] : vector<16x10000xf32> to vector<16xf32>
    %broadcast_in_dim3A_29 = vector.shape_cast %reduce_sum3A_28 : vector<16xf32> to vector<16x1xf32>
    %get3A_30 = arith.constant 0 : index
    %get3A_31 = arith.constant 0 : index
    %get3A_32 = vector.load %arg5[%get3A_30, %get3A_31] : memref<16x10xf32, #tpu.memory_space<vmem>>, vector<16x10xf32>
    %mul3A_33 = vector.broadcast %broadcast_in_dim3A_29 : vector<16x1xf32> to vector<16x10xf32>
    %mul3A_34 = arith.mulf %mul3A_33, %get3A_32 : vector<16x10xf32>
    %reduce_sum3A_35 = arith.constant dense<0.000000e+00> : vector<10xf32>
    %reduce_sum3A_36 = vector.multi_reduction <add>, %mul3A_34, %reduce_sum3A_35 [0] : vector<16x10xf32> to vector<10xf32>
    %broadcast_in_dim3A_37 = vector.shape_cast %reduce_sum3A_36 : vector<10xf32> to vector<1x10xf32>
    %div3A = arith.constant 1.000000e+04 : f32
    %div3A_38 = vector.broadcast %div3A : f32 to vector<1x10xf32>
    %div3A_39 = arith.divf %broadcast_in_dim3A_37, %div3A_38 : vector<1x10xf32>
    %get3A_40 = arith.constant 0 : index
    %get3A_41 = arith.constant 0 : index
    %get3A_42 = vector.load %arg6[%get3A_40, %get3A_41] : memref<1x10xf32, #tpu.memory_space<vmem>>, vector<1x10xf32>
    %add3A_43 = arith.addf %div3A_39, %get3A_42 : vector<1x10xf32>
    %reduce_max3A = vector.shape_cast %add3A_43 : vector<1x10xf32> to vector<1x1x10xf32>
    %reduce_max3A_44 = arith.constant dense<0xFF800000> : vector<1xf32>
    %reduce_max3A_45 = vector.multi_reduction <maximumf>, %reduce_max3A, %reduce_max3A_44 [1, 2] : vector<1x1x10xf32> to vector<1xf32>
    %reduce_max3A_46 = vector.shape_cast %reduce_max3A_45 : vector<1xf32> to vector<1x1x1xf32>
    %reduce_max3A_47 = vector.extract %reduce_max3A_46[0, 0, 0] : f32 from vector<1x1x1xf32>
    %sub3A = vector.broadcast %reduce_max3A_47 : f32 to vector<1x10xf32>
    %sub3A_48 = arith.subf %add3A_43, %sub3A : vector<1x10xf32>
    %exp3A = math.exp %sub3A_48 : vector<1x10xf32>
    %reduce_sum3A_49 = vector.shape_cast %exp3A : vector<1x10xf32> to vector<1x1x10xf32>
    %reduce_sum3A_50 = arith.constant dense<0.000000e+00> : vector<1xf32>
    %reduce_sum3A_51 = vector.multi_reduction <add>, %reduce_sum3A_49, %reduce_sum3A_50 [1, 2] : vector<1x1x10xf32> to vector<1xf32>
    %reduce_sum3A_52 = vector.shape_cast %reduce_sum3A_51 : vector<1xf32> to vector<1x1x1xf32>
    %reduce_sum3A_53 = vector.extract %reduce_sum3A_52[0, 0, 0] : f32 from vector<1x1x1xf32>
    %div3A_54 = vector.broadcast %reduce_sum3A_53 : f32 to vector<1x10xf32>
    %div3A_55 = arith.divf %exp3A, %div3A_54 : vector<1x10xf32>
    %swap3A = arith.constant 0 : index
    %swap3A_56 = arith.constant 0 : index
    %swap3A_57 = vector.load %arg7[%swap3A, %swap3A_56] : memref<1x10xf32, #tpu.memory_space<vmem>>, vector<1x10xf32>
    tpu.vector_store %arg7[%swap3A, %swap3A_56], %div3A_55 {strides = array<i32>} : memref<1x10xf32, #tpu.memory_space<vmem>>, vector<1x10xf32>,
    return
  }
}

</mosaic_0001>

<sc_bundles>
// kernel: kernel.10.cloned.1.call-start
scs
__scs_entry_jumppad:
0x0: {  	(pc) =	sbr.rel $0x88, $3  }
0x1: {  	(tag) =	ssettag $0x0;
	lr =	simm.s32 $0x1  }
0x2: {  	[smem:$0x3F9B] =	sst lr;
	_ =	strace $0xD0000000  }
0x3: {  	_ = 	snop  }
0x4: {  	_ = 	snop  }
0x5: {  	_ = 	snop  }
0x6: {  	_ = 	snop  }
0x7: {  	_ = 	snop  }
__scs_overlays_trampoline_lowered:
0x8: {  	[smem:$0x3FAA] =	sst s0  }
0x9: {  	[smem:$0x3FAB] =	sst s1  }
0xa: {  	[smem:$0x3FAC] =	sst s2  }
0xb: {  	[smem:$0x3FAD] =	sst s3  }
0xc: {  	[smem:$0x3FAE] =	sst s4  }
0xd: {  	[smem:$0x3FAF] =	sst s5  }
0xe: {  	[smem:$0x3FB0] =	sst s6  }
0xf: {  	[smem:$0x3FB1] =	sst s7  }
0x10: {  	[smem:$0x3FB2] =	sst s8  }
0x11: {  	[smem:$0x3FB3] =	sst s9;
	s0 =	simm.s32 @!p0 $0x0  }
0x12: {  	s1 =	sld [smem:$0x3F99];
	s0 =	simm.s32 @p0 $0x1  }
0x13: {  	[smem:$0x3FB4] =	sst s0;
	s0 =	simm.s32 @!p1 $0x0  }
0x14: {  	s2 =	sld [smem:$0x3F98];
	s0 =	simm.s32 @p1 $0x1  }
0x15: {  	[smem:$0x3FB5] =	sst s0;
	s0 =	simm.s32 @!p2 $0x0  }
0x16: {  	s3 =	sld [smem:$0x3FDB];
	s0 =	simm.s32 @p2 $0x1  }
0x17: {  	s4 =	simm.s32 $0x1BF5;
	[smem:$0x3FB7] =	sst s0  }
0x18: {  	s0 =	sld [smem:$0x3F9A];
	_ =	swait.ge [sflag:s4], $0x0  }
0x19: {  	s7 =	sld [smem:$0x3F9B]  }
0x1a: {  	s8 =	sadd.s32 $0xFFFFE003, lr  }
0x1b: {  	s9 =	sadd.s32 $0xFFFFFEF7, lr;
	s5 =	simm.s32 $0xFFFFFFFF;
	p2 =	slt.u32 s8, $0xFFFFF086  }
0x1c: {  	p1 =	slt.u32 s9, $0xF7A;
	s5 =	simm.s32 @!p2 $0x0  }
0x1d: {  	s5 =	simm.s32 @p1 $0x1;
	p0 =	seq.s32 s7, s2  }
0x1e: {  	s7 =	smul.u32 @!p0 $0xF7A, s2;
	p2 =	seq.s32 @!p0 s5, $0x0  }
0x1f: {  	s9 =	smul.u32 $0xF7A, s1;
	s8 =	simm.s32 @!p0 $0x1BF5;
	p2 =	por !p2, p0  }
0x20: {  	[sflag:s8] =	ssyncset.s32 @!p0 $0xFFFFF086;
	s6 =	sadd.s32 @!p0 s3, s7;
	s7 =	simm.s32 @!p0 $0x108  }
0x21: {  	s3 =	sadd.s32 s3, s9;
	s6 =	sadd.s32 @!p0 $0x88, s6;
	s7 =	simm.s32 @p2 $0x1082  }
0x22: {  	[simem:s7], [sflag:s8] =	dma.local @!p0 [hbm:s6], $0xF7A  }
0x23: {  	s9 =	sor.u32 $0xD0000000, s2;
	s6 =	simm.s32 $0x108;
	_ =	swait.ge @!p0 [sflag:s8], $0x0  }
0x24: {  	s3 =	sadd.s32 $0x88, s3;
	s6 =	simm.s32 @!p1 $0x1082;
	[sflag:s4] =	ssyncset.s32 $0xFFFFF086  }
0x25: {  	[simem:s6], [sflag:s4] =	dma.local [hbm:s3], $0xF7A  }
0x26: {  	[smem:$0x3F9B] =	sst s1;
	(tag) =	ssettag s2;
	_ =	strace s9  }
0x27: {  	s1 =	sld [smem:$0x3FAB]  }
0x28: {  	s2 =	sld [smem:$0x3FAC]  }
0x29: {  	s4 =	sld [smem:$0x3FAE]  }
0x2a: {  	p0 =	seq.s32 s5, $0x0;
	s5 =	sld [smem:$0x3FAF]  }
0x2b: {  	s6 =	sld [smem:$0x3FB0]  }
0x2c: {  	s7 =	sld [smem:$0x3FB1]  }
0x2d: {  	s3 =	simm.s32 $0x108;
	s8 =	sld [smem:$0x3FB2]  }
0x2e: {  	s3 =	simm.s32 @!p0 $0x1082;
	s9 =	sld [smem:$0x3FB3]  }
0x2f: {  	lr =	sadd.s32 s0, s3;
	s0 =	sld [smem:$0x3FAA]  }
0x30: {  	s3 =	sld [smem:$0x3FAD]  }
0x31: {  	[smem:$0x3FB6] =	sst s10  }
0x32: {  	s10 =	sld [smem:$0x3FB4];
	_ =	sdelay $0x3  }
0x33: {  	p0 =	seq.s32 s10, $0x1;
	s10 =	sld [smem:$0x3FB6];
	_ =	sdelay $0x3  }
0x34: {  	[smem:$0x3FB6] =	sst s10  }
0x35: {  	s10 =	sld [smem:$0x3FB5];
	_ =	sdelay $0x3  }
0x36: {  	p1 =	seq.s32 s10, $0x1;
	s10 =	sld [smem:$0x3FB6];
	_ =	sdelay $0x3  }
0x37: {  	[smem:$0x3FB6] =	sst s10  }
0x38: {  	s10 =	sld [smem:$0x3FB7]  }
0x39: {  	_ = 	snop;
	(pc) =	sbr.ind lr, $3  }
0x3a: {  	_ = 	snop  }
0x3b: {  	_ = 	snop  }
0x3c: {  	p2 =	seq.s32 s10, $0x1;
	s10 =	sld [smem:$0x3FB6]  }
0x3d: {  	_ =	shalt  }
0x3e: {  	_ =	shalt  }
0x3f: {  	_ =	shalt  }
0x40: {  	_ =	shalt  }
0x41: {  	_ =	shalt  }
0x42: {  	_ =	shalt  }
0x43: {  	_ =	shalt  }
0x44: {  	_ =	shalt  }
0x45: {  	_ =	shalt  }
0x46: {  	_ =	shalt  }
0x47: {  	_ =	shalt  }
0x48: {  	_ =	shalt  }
0x49: {  	_ =	shalt  }
0x4a: {  	_ =	shalt  }
0x4b: {  	_ =	shalt  }
0x4c: {  	_ =	shalt  }
0x4d: {  	_ =	shalt  }
0x4e: {  	_ =	shalt  }
0x4f: {  	_ =	shalt  }
0x50: {  	_ =	shalt  }
0x51: {  	_ =	shalt  }
0x52: {  	_ =	shalt  }
0x53: {  	_ =	shalt  }
0x54: {  	_ =	shalt  }
0x55: {  	_ =	shalt  }
0x56: {  	_ =	shalt  }
0x57: {  	_ =	shalt  }
0x58: {  	_ =	shalt  }
0x59: {  	_ =	shalt  }
0x5a: {  	_ =	shalt  }
0x5b: {  	_ =	shalt  }
0x5c: {  	_ =	shalt  }
0x5d: {  	_ =	shalt  }
0x5e: {  	_ =	shalt  }
0x5f: {  	_ =	shalt  }
0x60: {  	_ =	shalt  }
0x61: {  	_ =	shalt  }
0x62: {  	_ =	shalt  }
0x63: {  	_ =	shalt  }
0x64: {  	_ =	shalt  }
0x65: {  	_ =	shalt  }
0x66: {  	_ =	shalt  }
0x67: {  	_ =	shalt  }
0x68: {  	_ =	shalt  }
0x69: {  	_ =	shalt  }
0x6a: {  	_ =	shalt  }
0x6b: {  	_ =	shalt  }
0x6c: {  	_ =	shalt  }
0x6d: {  	_ =	shalt  }
0x6e: {  	_ =	shalt  }
0x6f: {  	_ =	shalt  }
0x70: {  	_ =	shalt  }
0x71: {  	_ =	shalt  }
0x72: {  	_ =	shalt  }
0x73: {  	_ =	shalt  }
0x74: {  	_ =	shalt  }
0x75: {  	_ =	shalt  }
0x76: {  	_ =	shalt  }
0x77: {  	_ =	shalt  }
0x78: {  	_ =	shalt  }
0x79: {  	_ =	shalt  }
0x7a: {  	_ =	shalt  }
0x7b: {  	_ =	shalt  }
0x7c: {  	_ =	shalt  }
0x7d: {  	_ =	shalt  }
0x7e: {  	_ =	shalt  }
0x7f: {  	_ =	shalt  }
0x80: {  	_ =	shalt  }
0x81: {  	_ =	shalt  }
0x82: {  	_ =	shalt  }
0x83: {  	_ =	shalt  }
0x84: {  	_ =	shalt  }
0x85: {  	_ =	shalt  }
0x86: {  	_ =	shalt  }
0x87: {  	_ =	shalt  }
.Lfunc_end0:
.L_simem_size_0:
called_computation.1_lowered:
.L_overlay_start_0:
0x88: {  	s2 =	sld [smem:$0x3FD9]  }
0x89: {  	s3 =	sld [smem:$0x3FFE];
	_ =	sdelay $0x1  }
0x8a: {  	s1 =	srdreg.scid  }
0x8b: {  	s0 =	sand.u32 $0x1, s1  }
0x8c: {  	s17 =	sshll.u32 s0, $0xA;
	s2 =	sadd.s32 s3, s2  }
0x8d: {  	s2 =	sadd.s32 s2, s17  }
0x8e: {  	[smem:$0x3FC2] =	sst s2  }
0x8f: {  	_ = 	snop  }
0x90: {  	s2 =	sld [smem:$0x3FC8];
	(tm) =	ssettm $0x1  }
0x91: {  	s18 =	sld [smem:$0x3FFB];
	_ =	sdelay $0x3  }
0x92: {  	_ =	strace s18  }
0x93: {  	s3 =	sld [smem:$0x3FFC];
	_ =	sdelay $0x3  }
0x94: {  	_ =	strace s3  }
0x95: {  	s3 =	sld [smem:$0x3FFD];
	_ =	sdelay $0x3  }
0x96: {  	_ =	strace s3  }
0x97: {  	_ =	strace $0x8FFFFFFF  }
0x98: {  	s19 =	sld [smem:$0x3FDB];
	_ =	sdelay $0x1  }
0x99: {  	s4 =	simm.s32 $_scs_section_size  }
0x9a: {  	s5 =	simm.s32 $_size__tile_overlayer_lowered;
	s6 =	simm.s32 $_tile_overlayer_lowered  }
0x9b: {  	s22 =	simm.s32 $0x1BFF;
	s21 =	sshll.u32 s6, $0x1;
	s3 =	sadd.s32 s4, s19  }
0x9c: {  	s7 =	simm.s32 $0x0;
	s20 =	sshll.u32 s5, $0x1;
	s5 =	sadd.s32 s21, s3  }
0x9d: {  	[timem:s7], [sflag:s22] =	dma.local [hbm:s5], s20  }
0x9e: {  	_ =	swait.ge [sflag:s22], s20  }
0x9f: {  	s4 =	ssub.s32 $0x0, s20;
	[sflag:s22] =	ssyncset.done $0x0  }
0xa0: {  	[sflag:s22] =	ssyncadd.s32 s4;
	_ =	sdelay $0x1  }
0xa1: {  	s23 =	simm.s32 $0x1B8B  }
0xa2: {  	_ =	swait.ge [sflag:s23], $0x1  }
0xa3: {  	[sflag:s23] =	ssyncset.done $0x0  }
0xa4: {  	s25 =	simm.s32 $0x1B8E;
	s24 =	sld [smem:$0x3FFE];
	[sflag:s23] =	ssyncadd.s32 $0xFFFFFFFF  }
0xa5: {  	s26 =	simm.s32 $execute0_lowered;
	[smem:$0x3FD2] =	sst s25  }
0xa6: {  	s5 =	sshll.u32 s26, $0x1;
	_ =	strace $0x80000049;
	[dreg:$0x1] =	wrdreg $0xFFFFFFFF  }
0xa7: {  	s28 =	simm.s32 $_size_execute0_lowered;
	s3 =	sadd.s32 s3, s5;
	[dreg:$0x0] =	wrdreg $0x0  }
0xa8: {  	s5 =	sshll.u32 s28, $0x1;
	[dreg:$0x2] =	wrdreg s3  }
0xa9: {  	[dreg:$0x3] =	wrdreg s5  }
0xaa: {  	[dreg:$0x4] =	wrdreg $0xC0  }
0xab: {  	_ =	task [dreg:s7], $0x5FFFF  }
0xac: {  	[dreg:$0x1] =	wrdreg $0xFFFFFFFF  }
0xad: {  	[dreg:$0x0] =	wrdreg $0x60  }
0xae: {  	[dreg:$0x2] =	wrdreg s2  }
0xaf: {  	[dreg:$0x3] =	wrdreg s24  }
0xb0: {  	[dreg:$0x4] =	wrdreg $0x9  }
0xb1: {  	_ =	task.clear_ibuf [dreg:s7], $0x5FFFF;
	_ =	strace $0x90000049  }
0xb2: {  	s29 =	simm.s32 $0x9;
	_ =	strace $0x8000004B  }
0xb3: {  	_ =	swait.ge [sflag:s29], $0x1  }
0xb4: {  	[sflag:s29] =	ssyncadd.s32 $0xFFFFFFFF  }
0xb5: {  	_ =	strace $0x9000004B  }
0xb6: {  	_ =	sfence  }
0xb7: {  	s30 =	sld [smem:$0x0];
	_ =	sdelay $0x2  }
0xb8: {  	s31 =	sshll.u32 s1, $0xD;
	s1 =	sshrl.u32 s1, $0x2  }
0xb9: {  	s3 =	sand.u32 $0x4000, s31;
	s1 =	sadd.s32 s1, s30  }
0xba: {  	s0 =	sor.u32 s3, s0;
	s1 =	sshll.u32 s1, $0x11  }
0xbb: {  	s0 =	sor.u32 s1, s0  }
0xbc: {  	s0 =	sadd.s32 $0x8F2B, s0  }
0xbd: {  	[sflag:s0] =	ssyncadd.remote.s32 $0x1  }
0xbe: {  	_ =	sfence.sel $0xFFFF  }
0xbf: {  	[dreg:$0x0] =	wrdreg $0xFFFFFFFF;
	(pc) =	sbr.abs _section_cstart, $3  }
0xc0: {  	[dreg:$0x1] =	wrdreg $0xFFFFFFFF  }
0xc1: {  	_ =	task.clear_ibuf [dreg:s7], $0x2FFFF;
	_ =	strace $0x9FFFFFFF  }
0xc2: {  	(tm) =	ssettm $0x7FFFFFFF  }
0xc3: {  	_ =	shalt  }
tec
execute0_lowered:
.L_overlay_start_1:
0x0: {  	(tag) =	ssettag $0x1  }
0x1: {  	s2 =	rddreg [dreg:$0x0]  }
0x2: {  	s0 =	rddreg [dreg:$0x1];
	s1 =	srdreg.scid  }
0x3: {  	s8 =	stileid.u32;
	s3 =	simm.s32 $0x0;
	s28 =	simm.s32 $0xC580  }
0x4: {  	s29 =	simm.s32 $0xED00;
	s30 =	simm.s32 $0x11480;
	s31 =	simm.s32 $0x2  }
0x5: {  	s1 =	sand.u32 $0x1, s1;
	s4 =	sshll.u32 s8, $0x1;
	s5 =	sshrl.u32 s8, $0x2  }
0x6: {  	[smem:$0x7FF] =	sst s3;
	s7 =	sadd.s32 $0x4400, s0;
	s26 =	sadd.s32 $0x1C00, s0  }
0x7: {  	s10 =	sadd.s32 $0x4A00, s0;
	s14 =	sshrl.u32 s8, $0x1;
	s5 =	smul.u32 $0x13C00, s5  }
0x8: {  	s21 =	sadd.s32 $0x13800, s2;
	s4 =	sor.u32 s1, s4;
	s9 =	smul.u32 $0x2700, s14  }
0x9: {  	_ =	strace $0x8000004A;
	[dreg:$0x3] =	wrdreg s7;
	s11 =	smul.u32 $0x9C00, s14  }
0xa: {  	s1 =	ssub.s32 $0x2, s1;
	s13 =	smul.u32 $0x27800, s14;
	[dreg:$0x7] =	wrdreg s21  }
0xb: {  	s21 =	simm.s32 $0x4F00;
	p0 =	sne.s32 s14, $0x0;
	s6 =	sshll.u32 s4, $0x7  }
0xc: {  	s15 =	sshrl.u32 s1, $0x1;
	s4 =	sand.u32 $0x3, s4;
	s6 =	sand.u32 $0x380, s6  }
0xd: {  	s1 =	ssub.s32 s1, s15;
	s16 =	sshll.u32 s4, $0x8;
	s17 =	sadd.s32 s2, s9  }
0xe: {  	s18 =	sshll.u32 s4, $0x5;
	p1 =	seq.s32 s4, $0x0;
	s9 =	sadd.s32 $0xC00, s11  }
0xf: {  	s22 =	sadd.s32 $0x13C00, s13;
	s5 =	sor.u32 s5, s6;
	[dreg:$0x4] =	wrdreg s17  }
0x10: {  	s12 =	sor.u32 $0x80, s16;
	s8 =	sadd.s32 s26, s18;
	s20 =	sor.u32 s13, s16  }
0x11: {  	s23 =	sor.u32 s22, s16;
	s16 =	smax.u32 s1, $0x1;
	s18 =	simm.s32 $0x80  }
0x12: {  	s1 =	simm.s32 $0x4;
	s5 =	sshrl.u32 s5, $0x3;
	s19 =	sshrl.u32 s12, $0x3  }
0x13: {  	[dreg:$0x5] =	wrdreg s8;
	s8 =	sadd.s32 $0x600, s11;
	s4 =	sshrl.u32 s20, $0x3  }
0x14: {  	s24 =	sor.u32 s13, s12;
	s20 =	simm.s32 $0x2780;
	s0 =	sadd.s32 s5, s0  }
0x15: {  	s7 =	sadd.s32 s26, s19;
	s4 =	sadd.s32 s10, s4;
	s5 =	sshrl.u32 s24, $0x3  }
0x16: {  	s19 =	simm.s32 $0x400;
	s24 =	simm.s32 $0x14800;
	[dreg:$0x6] =	wrdreg s7  }
0x17: {  	[dreg:$0x8] =	wrdreg s4;
	s4 =	sshrl.u32 s23, $0x3;
	s7 =	sor.u32 s22, s12  }
.Ltmp0:
0x18: {  	vm0 =	vmxor vm0, vm0;
	s25 =	sadd.s32 s10, s5;
	s0 =	sadd.s32 $0x2C200, s0;
	(pc) =	sbr.rel .LBB2_1-.Ltmp0, $4  }
0x19: {  	vm0 =	vmneg @p1 vm0;
	s22 =	simm.s32 $0x3;
	s23 =	simm.s32 $0x1;
	[dreg:$0xa] =	wrdreg s25  }
0x1a: {  	s4 =	sadd.s32 s10, s4;
	s26 =	sshrl.u32 s7, $0x3;
	[dreg:$0xc] =	wrdreg s0  }
0x1b: {  	s25 =	simm.s32 $0x7680;
	[dreg:$0x9] =	wrdreg s4;
	s4 =	sadd.s32 s10, s26  }
0x1c: {  	v0 =	vimm.f32 $0.0e+00;
	s0 =	simm.s32 $0x0;
	s26 =	simm.s32 $0x9E00;
	[dreg:$0xb] =	wrdreg s4  }
.LBB2_13:
0x1d: {  	s4 =	rddreg [dreg:$0x8]  }
0x1e: {  	[hbm4b:s4+s18] =	stream.strided.scatter [tilespmem:s25], [sflag:$0x4], $0x2780, s19, s18, $0x38;
	[tilespmem:$0x15800] =	vst v63  }
0x1f: {  	_ =	swait.ge [sflag:s1], $0x2780  }
0x20: {  	[sflag:s1] =	ssyncset.done $0x0  }
0x21: {  	s13 =	rddreg [dreg:$0x9];
	[sflag:s1] =	ssyncadd.s32 $0xFFFFD880  }
0x22: {  	[hbm4b:s13+s18] =	stream.strided.scatter [tilespmem:s26], [sflag:$0x4], $0x2780, s19, s18, $0x38;
	[tilespmem:$0x15800] =	vst v63  }
0x23: {  	_ =	swait.ge [sflag:s1], $0x2780  }
0x24: {  	[sflag:s1] =	ssyncset.done $0x0  }
0x25: {  	s14 =	rddreg [dreg:$0xa];
	[sflag:s1] =	ssyncadd.s32 $0xFFFFD880  }
0x26: {  	[hbm4b:s14+s18] =	stream.strided.scatter [tilespmem:s28], [sflag:$0x4], $0x2780, s19, s18, $0x38;
	[tilespmem:$0x15800] =	vst v63  }
0x27: {  	_ =	swait.ge [sflag:s1], $0x2780  }
0x28: {  	[sflag:s1] =	ssyncset.done $0x0  }
0x29: {  	s15 =	rddreg [dreg:$0xb];
	[sflag:s1] =	ssyncadd.s32 $0xFFFFD880  }
0x2a: {  	[hbm4b:s15+s18] =	stream.strided.scatter [tilespmem:s29], [sflag:$0x4], $0x2780, s19, s18, $0x38;
	[tilespmem:$0x15800] =	vst v63  }
0x2b: {  	s0 =	sadd.s32 $0x1, s0;
	_ =	swait.ge [sflag:s1], $0x2780  }
0x2c: {  	p1 =	sne.s32 s0, s16;
	[sflag:s1] =	ssyncset.done $0x0  }
.Ltmp1:
0x2d: {  	s17 =	rddreg [dreg:$0xc];
	[sflag:s1] =	ssyncadd.s32 $0xFFFFD880;
	(pc) =	sbr.rel @!p1 .LBB2_14-.Ltmp1, $4  }
0x2e: {  	[hbm4b:s17+s18] =	stream.strided.scatter [tilespmem:s30], [sflag:$0x4], $0x2780, s19, s18, $0x38;
	[tilespmem:$0x15800] =	vst v63  }
0x2f: {  	_ =	swait.ge [sflag:s1], $0x2780  }
0x30: {  	[sflag:s1] =	ssyncset.done $0x0  }
0x31: {  	[sflag:s1] =	ssyncadd.s32 $0xFFFFD880  }
.LBB2_1:
0x32: {  	s4 =	rddreg [dreg:$0x4];
	s5 =	simm.s32 $0x13C00  }
0x33: {  	[tilespmem:s5], [sflag:$0x1] =	stream.linear.gather [hbm4b:s4+s3], $0xC00, $0x38;
	[tilespmem:$0x15800] =	vst v63  }
0x34: {  	s14 =	rddreg [dreg:$0x3]  }
0x35: {  	[tilespmem:s3], [sflag:$0x3] =	stream.linear.gather [hbm4b:s14+s3], $0x2780, $0x38;
	[tilespmem:$0x15800] =	vst v63  }
0x36: {  	s15 =	rddreg [dreg:$0x5]  }
0x37: {  	[tilespmem:s20], [sflag:$0x3] =	stream.strided.gather [hbm4b:s15+s18], $0x2780, s19, s18, $0x38;
	[tilespmem:$0x15800] =	vst v63  }
0x38: {  	s17 =	rddreg [dreg:$0x6];
	s4 =	simm.s32 $0x114C0  }
0x39: {  	[tilespmem:s21], [sflag:$0x3] =	stream.strided.gather [hbm4b:s17+s18], $0x2780, s19, s18, $0x38;
	[tilespmem:$0x15800] =	vst v63  }
0x3a: {  	s5 =	simm.s32 $0x76C0;
	[tilespmem:s4+$0xFFFFFFC0] =	vst v0  }
0x3b: {  	s10 =	simm.s32 $0x9E40;
	[tilespmem:s5+$0xFFFFFFC0] =	vst v0  }
0x3c: {  	s11 =	simm.s32 $0xC5C0;
	[tilespmem:s10+$0xFFFFFFC0] =	vst v0  }
0x3d: {  	s6 =	simm.s32 $0xED40;
	[tilespmem:s11+$0xFFFFFFC0] =	vst v0  }
0x3e: {  	[tilespmem:s6+$0xFFFFFFC0] =	vst v0  }
0x3f: {  	[tilespmem:s4+$0xFFFFFFD0] =	vst v0  }
0x40: {  	[tilespmem:s5+$0xFFFFFFD0] =	vst v0  }
0x41: {  	[tilespmem:s10+$0xFFFFFFD0] =	vst v0  }
0x42: {  	[tilespmem:s11+$0xFFFFFFD0] =	vst v0  }
0x43: {  	[tilespmem:s6+$0xFFFFFFD0] =	vst v0  }
0x44: {  	[tilespmem:s4+$0xFFFFFFE0] =	vst v0  }
0x45: {  	[tilespmem:s5+$0xFFFFFFE0] =	vst v0  }
0x46: {  	[tilespmem:s10+$0xFFFFFFE0] =	vst v0  }
0x47: {  	[tilespmem:s11+$0xFFFFFFE0] =	vst v0  }
0x48: {  	[tilespmem:s6+$0xFFFFFFE0] =	vst v0  }
0x49: {  	[tilespmem:s4+$0xFFFFFFF0] =	vst v0  }
0x4a: {  	[tilespmem:s5+$0xFFFFFFF0] =	vst v0  }
0x4b: {  	[tilespmem:s10+$0xFFFFFFF0] =	vst v0  }
0x4c: {  	[tilespmem:s11+$0xFFFFFFF0] =	vst v0  }
0x4d: {  	[tilespmem:s6+$0xFFFFFFF0] =	vst v0  }
0x4e: {  	[tilespmem:s4+$0x0] =	vst v0  }
0x4f: {  	[tilespmem:s5+$0x0] =	vst v0  }
0x50: {  	[tilespmem:s10+$0x0] =	vst v0  }
0x51: {  	[tilespmem:s11+$0x0] =	vst v0  }
0x52: {  	[tilespmem:s6+$0x0] =	vst v0  }
0x53: {  	[tilespmem:s4+$0x10] =	vst v0  }
0x54: {  	[tilespmem:s5+$0x10] =	vst v0  }
0x55: {  	[tilespmem:s10+$0x10] =	vst v0  }
0x56: {  	[tilespmem:s11+$0x10] =	vst v0  }
0x57: {  	[tilespmem:s6+$0x10] =	vst v0  }
0x58: {  	[tilespmem:s4+$0x20] =	vst v0  }
0x59: {  	[tilespmem:s5+$0x20] =	vst v0  }
0x5a: {  	[tilespmem:s10+$0x20] =	vst v0  }
0x5b: {  	[tilespmem:s11+$0x20] =	vst v0  }
0x5c: {  	[tilespmem:s6+$0x20] =	vst v0  }
0x5d: {  	[tilespmem:s4+$0x30] =	vst v0  }
0x5e: {  	[tilespmem:s5+$0x30] =	vst v0  }
0x5f: {  	s7 =	simm.s32 $0x0;
	[tilespmem:s10+$0x30] =	vst v0  }
0x60: {  	s17 =	simm.s32 $0xC640;
	s10 =	simm.s32 $0x9EC0;
	[tilespmem:s11+$0x30] =	vst v0;
	s11 =	simm.s32 $0xEDC0  }
.LBB2_2:
0x61: {  	s7 =	sadd.s32 $0x8, s7;
	[tilespmem:s6+$0x30] =	vst v0;
	s4 =	sadd.s32 $0x80, s4;
	s5 =	sadd.s32 $0x80, s5  }
0x62: {  	s6 =	smov.u32 s11;
	[tilespmem:s4+$0xFFFFFFC0] =	vst v0;
	p1 =	slt.u32 s7, $0x268  }
0x63: {  	[tilespmem:s5+$0xFFFFFFC0] =	vst v0  }
0x64: {  	[tilespmem:s10+$0xFFFFFFC0] =	vst v0  }
0x65: {  	[tilespmem:s17+$0xFFFFFFC0] =	vst v0  }
0x66: {  	[tilespmem:s11+$0xFFFFFFC0] =	vst v0  }
0x67: {  	[tilespmem:s4+$0xFFFFFFD0] =	vst v0  }
0x68: {  	[tilespmem:s5+$0xFFFFFFD0] =	vst v0  }
0x69: {  	[tilespmem:s10+$0xFFFFFFD0] =	vst v0  }
0x6a: {  	[tilespmem:s17+$0xFFFFFFD0] =	vst v0  }
0x6b: {  	[tilespmem:s11+$0xFFFFFFD0] =	vst v0  }
0x6c: {  	[tilespmem:s4+$0xFFFFFFE0] =	vst v0  }
0x6d: {  	[tilespmem:s5+$0xFFFFFFE0] =	vst v0  }
0x6e: {  	[tilespmem:s10+$0xFFFFFFE0] =	vst v0  }
0x6f: {  	[tilespmem:s17+$0xFFFFFFE0] =	vst v0  }
0x70: {  	[tilespmem:s11+$0xFFFFFFE0] =	vst v0  }
0x71: {  	[tilespmem:s4+$0xFFFFFFF0] =	vst v0  }
0x72: {  	[tilespmem:s5+$0xFFFFFFF0] =	vst v0  }
0x73: {  	[tilespmem:s10+$0xFFFFFFF0] =	vst v0  }
0x74: {  	[tilespmem:s17+$0xFFFFFFF0] =	vst v0  }
0x75: {  	[tilespmem:s11+$0xFFFFFFF0] =	vst v0  }
0x76: {  	[tilespmem:s4+$0x0] =	vst v0  }
0x77: {  	[tilespmem:s5+$0x0] =	vst v0  }
0x78: {  	[tilespmem:s10+$0x0] =	vst v0  }
0x79: {  	[tilespmem:s17+$0x0] =	vst v0  }
0x7a: {  	[tilespmem:s11+$0x0] =	vst v0  }
0x7b: {  	[tilespmem:s4+$0x10] =	vst v0  }
0x7c: {  	[tilespmem:s5+$0x10] =	vst v0  }
0x7d: {  	[tilespmem:s10+$0x10] =	vst v0  }
0x7e: {  	[tilespmem:s17+$0x10] =	vst v0  }
0x7f: {  	[tilespmem:s11+$0x10] =	vst v0  }
0x80: {  	[tilespmem:s4+$0x20] =	vst v0  }
0x81: {  	[tilespmem:s5+$0x20] =	vst v0  }
0x82: {  	[tilespmem:s10+$0x20] =	vst v0  }
0x83: {  	[tilespmem:s17+$0x20] =	vst v0  }
.Ltmp2:
0x84: {  	[tilespmem:s11+$0x20] =	vst v0;
	(pc) =	sbr.rel @p1 .LBB2_2-.Ltmp2, $4  }
0x85: {  	[tilespmem:s4+$0x30] =	vst v0  }
0x86: {  	[tilespmem:s5+$0x30] =	vst v0  }
0x87: {  	[tilespmem:s10+$0x30] =	vst v0  }
0x88: {  	s11 =	sadd.s32 $0x80, s11;
	s10 =	sadd.s32 $0x80, s10;
	[tilespmem:s17+$0x30] =	vst v0;
	s17 =	sadd.s32 $0x80, s17  }
0x89: {  	[tilespmem:s6+$0x30] =	vst v0  }
0x8a: {  	[tilespmem:$0x13B80] =	vst v0  }
0x8b: {  	[tilespmem:$0x9D80] =	vst v0  }
0x8c: {  	[tilespmem:$0xC500] =	vst v0  }
0x8d: {  	[tilespmem:$0xEC80] =	vst v0  }
0x8e: {  	[tilespmem:$0x11400] =	vst v0  }
0x8f: {  	_ =	swait.ge [sflag:s22], $0x2780  }
0x90: {  	[sflag:s22] =	ssyncset.done $0x0  }
0x91: {  	[sflag:s22] =	ssyncadd.s32 $0xFFFFD880  }
0x92: {  	_ =	swait.ge [sflag:s22], $0x2780  }
0x93: {  	[sflag:s22] =	ssyncset.done $0x0  }
0x94: {  	[sflag:s22] =	ssyncadd.s32 $0xFFFFD880  }
0x95: {  	_ =	swait.ge [sflag:s22], $0x2780  }
0x96: {  	[sflag:s22] =	ssyncset.done $0x0  }
0x97: {  	s10 =	simm.s32 $0x0;
	s17 =	simm.s32 $0x0;
	[sflag:s22] =	ssyncadd.s32 $0xFFFFD880  }
.LBB2_4:
0x98: {  	s4 =	smul.u32 $0xC00, s17;
	_ =	sdelay $0x1  }
0x99: {  	_ =	swait.ge [sflag:s23], $0xC00;
	s5 =	sadd.s32 s4, s8  }
0x9a: {  	[sflag:s23] =	ssyncset.done $0x0;
	s5 =	sshrl.u32 s5, $0x2  }
0x9b: {  	p1 =	por $0x0, $0x0;
	[sflag:s23] =	ssyncadd.s32 $0xFFFFF400;
	s5 =	sadd.s32 s2, s5  }
0x9c: {  	[tilespmem:s24], [sflag:$0x2] =	stream.linear.gather [hbm4b:s5+s10], $0xC00, $0x38;
	[tilespmem:$0x15800] =	vst v63  }
0x9d: {  	s6 =	sand.u32 $0x40, s10;
	s7 =	sand.u32 $0xF00, s10;
	s5 =	simm.s32 $0x1  }
0x9e: {  	s6 =	sor.u32 s6, s7;
	s5 =	simm.s32 @!p1 $0x0  }
0x9f: {  	s7 =	sadd.s32 $0x13C00, s6;
	s5 =	sshll.u32 s5, $0x6  }
0xa0: {  	v10 =	vld [tilespmem:s7+$0x30];
	s5 =	sadd.s32 $0x0, s5  }
0xa1: {  	v1 =	vld [tilespmem:s6+$0x13C00];
	s11 =	sadd.s32 $0x30, s5  }
0xa2: {  	v7 =	vld [tilespmem:s7+$0x10];
	s13 =	sadd.s32 $0x10, s5;
	s11 =	sor.u32 $0x80, s11  }
0xa3: {  	s6 =	sor.u32 $0x80, s13;
	v11 =	vld [tilespmem:s11+$0x13C00]  }
0xa4: {  	v8 =	vld [tilespmem:s6+$0x13C00];
	_ =	sdelay $0x1  }
0xa5: {  	v2 =	vld [tilespmem:s7+$0x20];
	s14 =	sadd.s32 $0x20, s5;
	s5 =	sor.u32 $0x80, s5  }
0xa6: {  	s15 =	sor.u32 $0x80, s14;
	v3 =	vld [tilespmem:s5+$0x13C00]  }
0xa7: {  	v4 =	vld [tilespmem:s15+$0x13C00]  }
0xa8: {  	v5 =	vld.idx.msk [tilespmem:v10+s20+$0x0], $0xffff  }
0xa9: {  	v14 =	vld.idx.msk [tilespmem:v7+s20+$0x0], $0xffff  }
0xaa: {  	v12 =	vld.idx.msk [tilespmem:v11+s3+$0x0], $0xffff  }
0xab: {  	v9 =	vld.idx.msk [tilespmem:v8+s3+$0x0], $0xffff;
	_ =	sdelay $0x1  }
0xac: {  	v13 =	vld.idx.msk [tilespmem:v1+s20+$0x0], $0xffff  }
0xad: {  	v15 =	vld.idx.msk [tilespmem:v2+s20+$0x0], $0xffff;
	v16 =	vunpack.i.l.bf16.f32 v5  }
0xae: {  	v6 =	vld.idx.msk [tilespmem:v4+s3+$0x0], $0xffff;
	v18 =	vunpack.i.l.bf16.f32 v14;
	v16 =	vmul.f32 v16, v12  }
0xaf: {  	v17 =	vunpack.i.u.bf16.f32 v5;
	v5 =	vld.idx.msk [tilespmem:v3+s3+$0x0], $0xffff;
	v60 =	vmul.f32 v18, v9  }
0xb0: {  	v17 =	vmul.f32 v17, v12;
	[tilespmem:v11+s25+$0x0] =	vst.idx.add.f32.msk $0xffff, v16  }
0xb1: {  	v14 =	vunpack.i.u.bf16.f32 v14;
	[tilespmem:v8+s25+$0x0] =	vst.idx.add.f32.msk $0xffff, v60  }
0xb2: {  	v61 =	vunpack.i.l.bf16.f32 v15;
	v14 =	vmul.f32 v14, v9;
	[tilespmem:v11+s26+$0x0] =	vst.idx.add.f32.msk $0xffff, v17  }
0xb3: {  	v15 =	vunpack.i.u.bf16.f32 v15;
	v17 =	vmul.f32 v61, v6;
	v62 =	vld.idx.msk [tilespmem:v10+s21+$0x0], $0xffff  }
0xb4: {  	v15 =	vmul.f32 v15, v6;
	[tilespmem:v8+s26+$0x0] =	vst.idx.add.f32.msk $0xffff, v14  }
0xb5: {  	v14 =	vunpack.i.l.bf16.f32 v13;
	[tilespmem:v4+s25+$0x0] =	vst.idx.add.f32.msk $0xffff, v17  }
0xb6: {  	v14 =	vmul.f32 v14, v5;
	[tilespmem:v4+s26+$0x0] =	vst.idx.add.f32.msk $0xffff, v15  }
0xb7: {  	v13 =	vunpack.i.u.bf16.f32 v13;
	v15 =	vld.idx.msk [tilespmem:v7+s21+$0x0], $0xffff  }
0xb8: {  	v13 =	vmul.f32 v13, v5;
	[tilespmem:v3+s25+$0x0] =	vst.idx.add.f32.msk $0xffff, v14;
	v14 =	vunpack.i.l.bf16.f32 v62  }
0xb9: {  	v17 =	vld.idx.msk [tilespmem:v2+s21+$0x0], $0xffff;
	v63 =	vunpack.i.u.bf16.f32 v62;
	v14 =	vmul.f32 v14, v12  }
0xba: {  	[tilespmem:v3+s26+$0x0] =	vst.idx.add.f32.msk $0xffff, v13;
	v13 =	vmul.f32 v63, v12  }
0xbb: {  	[tilespmem:v11+s28+$0x0] =	vst.idx.add.f32.msk $0xffff, v14  }
0xbc: {  	[tilespmem:v11+s29+$0x0] =	vst.idx.add.f32.msk $0xffff, v13  }
0xbd: {  	v11 =	vunpack.i.l.bf16.f32 v15;
	[tilespmem:v10+s30+$0x0] =	vst.idx.add.f32.msk vm0, v12  }
0xbe: {  	v10 =	vunpack.i.u.bf16.f32 v15;
	v14 =	vmul.f32 v11, v9;
	v11 =	vld.idx.msk [tilespmem:v1+s21+$0x0], $0xffff  }
0xbf: {  	p1 =	por !p1, !p1;
	v15 =	vunpack.i.u.bf16.f32 v17;
	v12 =	vunpack.i.l.bf16.f32 v17;
	v13 =	vmul.f32 v10, v9  }
0xc0: {  	s7 =	simm.s32 $0x0;
	s5 =	simm.s32 $0x0;
	s6 =	simm.s32 $0x0;
	v12 =	vmul.f32 v12, v6;
	v10 =	vmul.f32 v15, v6;
	[tilespmem:v8+s28+$0x0] =	vst.idx.add.f32.msk $0xffff, v14  }
.LBB2_5:
0xc1: {  	s11 =	simm.s32 $0x1  }
0xc2: {  	[tilespmem:v8+s29+$0x0] =	vst.idx.add.f32.msk $0xffff, v13;
	s6 =	sadd.s32 $0x80, s6;
	s7 =	sadd.s32 $0x40, s7;
	s11 =	simm.s32 @!p1 $0x0  }
0xc3: {  	v8 =	vunpack.i.u.bf16.f32 v11;
	v11 =	vunpack.i.l.bf16.f32 v11;
	s12 =	sand.u32 $0x40, s7;
	s13 =	sand.u32 $0xF00, s6;
	s11 =	sshll.u32 s11, $0x6;
	[tilespmem:v7+s30+$0x0] =	vst.idx.add.f32.msk vm0, v9  }
0xc4: {  	v13 =	vmul.f32 v11, v5;
	v14 =	vmul.f32 v8, v5;
	s12 =	sor.u32 s12, s13;
	s11 =	sadd.s32 s11, s6;
	[tilespmem:v4+s28+$0x0] =	vst.idx.add.f32.msk $0xffff, v12  }
0xc5: {  	s5 =	sadd.s32 $0x4, s5;
	s13 =	sadd.s32 $0x13C00, s12;
	v15 =	vld [tilespmem:s12+$0x13C00];
	s12 =	sadd.s32 $0x30, s11  }
0xc6: {  	p2 =	slt.u32 s5, $0x5C;
	s14 =	sadd.s32 $0x10, s11;
	v11 =	vld [tilespmem:s13+$0x30];
	s12 =	sor.u32 $0x80, s12  }
0xc7: {  	s15 =	sor.u32 $0x80, s11;
	s11 =	sadd.s32 $0x20, s11;
	s14 =	sor.u32 $0x80, s14;
	v12 =	vld [tilespmem:s12+$0x13C00]  }
0xc8: {  	s11 =	sor.u32 $0x80, s11;
	v7 =	vld [tilespmem:s13+$0x10]  }
0xc9: {  	v16 =	vld [tilespmem:s13+$0x20]  }
0xca: {  	v8 =	vld [tilespmem:s14+$0x13C00]  }
0xcb: {  	v17 =	vld [tilespmem:s11+$0x13C00]  }
0xcc: {  	v18 =	vld [tilespmem:s15+$0x13C00]  }
0xcd: {  	v19 =	vld.idx.msk [tilespmem:v15+s20+$0x0], $0xffff  }
0xce: {  	v20 =	vld.idx.msk [tilespmem:v11+s20+$0x0], $0xffff  }
0xcf: {  	v21 =	vld.idx.msk [tilespmem:v12+s3+$0x0], $0xffff  }
0xd0: {  	v22 =	vld.idx.msk [tilespmem:v7+s20+$0x0], $0xffff  }
0xd1: {  	v23 =	vld.idx.msk [tilespmem:v16+s20+$0x0], $0xffff  }
0xd2: {  	v9 =	vld.idx.msk [tilespmem:v8+s3+$0x0], $0xffff  }
0xd3: {  	v24 =	vunpack.i.u.bf16.f32 v19;
	v19 =	vunpack.i.l.bf16.f32 v19;
	v25 =	vld.idx.msk [tilespmem:v17+s3+$0x0], $0xffff  }
0xd4: {  	v27 =	vunpack.i.l.bf16.f32 v20;
	v26 =	vld.idx.msk [tilespmem:v18+s3+$0x0], $0xffff  }
0xd5: {  	v20 =	vunpack.i.u.bf16.f32 v20;
	v27 =	vmul.f32 v27, v21;
	[tilespmem:v4+s29+$0x0] =	vst.idx.add.f32.msk $0xffff, v10;
	v4 =	vmov v17  }
0xd6: {  	v20 =	vmul.f32 v20, v21;
	v10 =	vunpack.i.u.bf16.f32 v22;
	v17 =	vunpack.i.l.bf16.f32 v22;
	[tilespmem:v2+s30+$0x0] =	vst.idx.add.f32.msk vm0, v6;
	v2 =	vmovc v16  }
0xd7: {  	v28 =	vunpack.i.u.bf16.f32 v23;
	v16 =	vunpack.i.l.bf16.f32 v23;
	[tilespmem:v12+s25+$0x0] =	vst.idx.add.f32.msk $0xffff, v27  }
0xd8: {  	v17 =	vmul.f32 v17, v9;
	v10 =	vmul.f32 v10, v9;
	[tilespmem:v12+s26+$0x0] =	vst.idx.add.f32.msk $0xffff, v20  }
0xd9: {  	v16 =	vmul.f32 v16, v25;
	v20 =	vmul.f32 v28, v25;
	v6 =	vmov v25;
	v22 =	vld.idx.msk [tilespmem:v11+s21+$0x0], $0xffff  }
0xda: {  	v19 =	vmul.f32 v19, v26;
	v23 =	vmul.f32 v24, v26;
	[tilespmem:v8+s25+$0x0] =	vst.idx.add.f32.msk $0xffff, v17  }
0xdb: {  	[tilespmem:v8+s26+$0x0] =	vst.idx.add.f32.msk $0xffff, v10  }
0xdc: {  	[tilespmem:v4+s25+$0x0] =	vst.idx.add.f32.msk $0xffff, v16  }
0xdd: {  	[tilespmem:v4+s26+$0x0] =	vst.idx.add.f32.msk $0xffff, v20  }
0xde: {  	[tilespmem:v18+s25+$0x0] =	vst.idx.add.f32.msk $0xffff, v19  }
0xdf: {  	v10 =	vunpack.i.l.bf16.f32 v22;
	[tilespmem:v18+s26+$0x0] =	vst.idx.add.f32.msk $0xffff, v23  }
0xe0: {  	v17 =	vunpack.i.u.bf16.f32 v22;
	v10 =	vmul.f32 v10, v21;
	v16 =	vld.idx.msk [tilespmem:v7+s21+$0x0], $0xffff  }
0xe1: {  	v17 =	vmul.f32 v17, v21;
	v19 =	vld.idx.msk [tilespmem:v2+s21+$0x0], $0xffff  }
0xe2: {  	[tilespmem:v12+s28+$0x0] =	vst.idx.add.f32.msk $0xffff, v10  }
0xe3: {  	[tilespmem:v12+s29+$0x0] =	vst.idx.add.f32.msk $0xffff, v17  }
0xe4: {  	[tilespmem:v11+s30+$0x0] =	vst.idx.add.f32.msk vm0, v21  }
.Ltmp3:
0xe5: {  	v11 =	vld.idx.msk [tilespmem:v15+s21+$0x0], $0xffff;
	(pc) =	sbr.rel @p2 .LBB2_5-.Ltmp3, $4  }
0xe6: {  	v10 =	vunpack.i.u.bf16.f32 v16;
	v12 =	vunpack.i.l.bf16.f32 v16;
	[tilespmem:v3+s28+$0x0] =	vst.idx.add.f32.msk $0xffff, v13  }
0xe7: {  	v16 =	vmul.f32 v12, v9;
	v17 =	vunpack.i.u.bf16.f32 v19;
	v12 =	vunpack.i.l.bf16.f32 v19;
	[tilespmem:v3+s29+$0x0] =	vst.idx.add.f32.msk $0xffff, v14;
	v3 =	vmovc v18  }
0xe8: {  	v13 =	vmul.f32 v10, v9;
	v12 =	vmul.f32 v12, v6;
	[tilespmem:v1+s30+$0x0] =	vst.idx.add.f32.msk vm0, v5;
	v1 =	vmov v15  }
0xe9: {  	p1 =	por !p1, !p1;
	v10 =	vmul.f32 v17, v6;
	v5 =	vmov v26;
	[tilespmem:v8+s28+$0x0] =	vst.idx.add.f32.msk $0xffff, v16  }
0xea: {  	_ =	sdelay $0x3  }
0xeb: {  	[tilespmem:v8+s29+$0x0] =	vst.idx.add.f32.msk $0xffff, v13  }
0xec: {  	[tilespmem:v4+s28+$0x0] =	vst.idx.add.f32.msk $0xffff, v12  }
0xed: {  	[tilespmem:v7+s30+$0x0] =	vst.idx.add.f32.msk vm0, v9;
	v7 =	vunpack.i.l.bf16.f32 v11  }
0xee: {  	v8 =	vunpack.i.u.bf16.f32 v11;
	[tilespmem:v4+s29+$0x0] =	vst.idx.add.f32.msk $0xffff, v10;
	v7 =	vmul.f32 v7, v5  }
0xef: {  	v4 =	vmul.f32 v8, v5;
	[tilespmem:v2+s30+$0x0] =	vst.idx.add.f32.msk vm0, v6  }
0xf0: {  	[tilespmem:v3+s28+$0x0] =	vst.idx.add.f32.msk $0xffff, v7  }
0xf1: {  	[tilespmem:v3+s29+$0x0] =	vst.idx.add.f32.msk $0xffff, v4  }
0xf2: {  	p1 =	seq.s32 s17, $0xC;
	[tilespmem:v1+s30+$0x0] =	vst.idx.add.f32.msk vm0, v5  }
0xf3: {  	s4 =	sadd.s32 @!p1 s4, s9;
	_ =	swait.ge [sflag:s31], $0xC00  }
0xf4: {  	s5 =	simm.s32 @!p1 $0x0;
	s4 =	sshrl.u32 @!p1 s4, $0x2;
	[sflag:s31] =	ssyncset.done $0x0  }
0xf5: {  	s6 =	simm.s32 @!p1 $0x13C00;
	s4 =	sadd.s32 @!p1 s2, s4;
	[sflag:s31] =	ssyncadd.s32 $0xFFFFF400  }
0xf6: {  	[tilespmem:s6], [sflag:$0x1] =	stream.linear.gather @!p1 [hbm4b:s4+s5], $0xC00, $0x38;
	[tilespmem:$0x15800] =	vst v63  }
0xf7: {  	p1 =	por $0x0, $0x0;
	s5 =	simm.s32 $0x1;
	s4 =	simm.s32 $0x0  }
0xf8: {  	s5 =	simm.s32 @!p1 $0x0;
	s12 =	sand.u32 $0x40, s4;
	s7 =	sand.u32 $0xF00, s4  }
0xf9: {  	s5 =	sshll.u32 s5, $0x6;
	s6 =	sor.u32 s12, s7  }
0xfa: {  	s5 =	sadd.s32 $0x0, s5;
	s7 =	sadd.s32 $0x14800, s6;
	v1 =	vld [tilespmem:s6+$0x14800]  }
0xfb: {  	s11 =	sadd.s32 $0x30, s5;
	v10 =	vld [tilespmem:s7+$0x30]  }
0xfc: {  	s13 =	sadd.s32 $0x10, s5;
	v7 =	vld [tilespmem:s7+$0x10];
	s11 =	sor.u32 $0x80, s11  }
0xfd: {  	s6 =	sor.u32 $0x80, s13;
	v11 =	vld [tilespmem:s11+$0x14800]  }
0xfe: {  	v8 =	vld [tilespmem:s6+$0x14800];
	_ =	sdelay $0x1  }
0xff: {  	s14 =	sadd.s32 $0x20, s5;
	v2 =	vld [tilespmem:s7+$0x20];
	s5 =	sor.u32 $0x80, s5  }
0x100: {  	s15 =	sor.u32 $0x80, s14;
	v3 =	vld [tilespmem:s5+$0x14800]  }
0x101: {  	v4 =	vld [tilespmem:s15+$0x14800]  }
0x102: {  	v5 =	vld.idx.msk [tilespmem:v10+s20+$0x0], $0xffff  }
0x103: {  	v14 =	vld.idx.msk [tilespmem:v7+s20+$0x0], $0xffff  }
0x104: {  	v12 =	vld.idx.msk [tilespmem:v11+s3+$0x0], $0xffff  }
0x105: {  	v9 =	vld.idx.msk [tilespmem:v8+s3+$0x0], $0xffff;
	_ =	sdelay $0x1  }
0x106: {  	v13 =	vld.idx.msk [tilespmem:v1+s20+$0x0], $0xffff  }
0x107: {  	v15 =	vld.idx.msk [tilespmem:v2+s20+$0x0], $0xffff;
	v16 =	vunpack.i.l.bf16.f32 v5  }
0x108: {  	v6 =	vld.idx.msk [tilespmem:v4+s3+$0x0], $0xffff;
	v18 =	vunpack.i.l.bf16.f32 v14;
	v16 =	vmul.f32 v16, v12  }
0x109: {  	v17 =	vunpack.i.u.bf16.f32 v5;
	v5 =	vld.idx.msk [tilespmem:v3+s3+$0x0], $0xffff;
	v60 =	vmul.f32 v18, v9  }
0x10a: {  	v17 =	vmul.f32 v17, v12;
	[tilespmem:v11+s25+$0x0] =	vst.idx.add.f32.msk $0xffff, v16  }
0x10b: {  	v14 =	vunpack.i.u.bf16.f32 v14;
	[tilespmem:v8+s25+$0x0] =	vst.idx.add.f32.msk $0xffff, v60  }
0x10c: {  	v61 =	vunpack.i.l.bf16.f32 v15;
	v14 =	vmul.f32 v14, v9;
	[tilespmem:v11+s26+$0x0] =	vst.idx.add.f32.msk $0xffff, v17  }
0x10d: {  	v15 =	vunpack.i.u.bf16.f32 v15;
	v17 =	vmul.f32 v61, v6;
	v62 =	vld.idx.msk [tilespmem:v10+s21+$0x0], $0xffff  }
0x10e: {  	v15 =	vmul.f32 v15, v6;
	[tilespmem:v8+s26+$0x0] =	vst.idx.add.f32.msk $0xffff, v14  }
0x10f: {  	v14 =	vunpack.i.l.bf16.f32 v13;
	[tilespmem:v4+s25+$0x0] =	vst.idx.add.f32.msk $0xffff, v17  }
0x110: {  	v14 =	vmul.f32 v14, v5;
	[tilespmem:v4+s26+$0x0] =	vst.idx.add.f32.msk $0xffff, v15  }
0x111: {  	v13 =	vunpack.i.u.bf16.f32 v13;
	v15 =	vld.idx.msk [tilespmem:v7+s21+$0x0], $0xffff  }
0x112: {  	v13 =	vmul.f32 v13, v5;
	[tilespmem:v3+s25+$0x0] =	vst.idx.add.f32.msk $0xffff, v14;
	v14 =	vunpack.i.l.bf16.f32 v62  }
0x113: {  	v17 =	vld.idx.msk [tilespmem:v2+s21+$0x0], $0xffff;
	v63 =	vunpack.i.u.bf16.f32 v62;
	v14 =	vmul.f32 v14, v12  }
0x114: {  	[tilespmem:v3+s26+$0x0] =	vst.idx.add.f32.msk $0xffff, v13;
	v13 =	vmul.f32 v63, v12  }
0x115: {  	[tilespmem:v11+s28+$0x0] =	vst.idx.add.f32.msk $0xffff, v14  }
0x116: {  	[tilespmem:v11+s29+$0x0] =	vst.idx.add.f32.msk $0xffff, v13  }
0x117: {  	v11 =	vunpack.i.l.bf16.f32 v15;
	[tilespmem:v10+s30+$0x0] =	vst.idx.add.f32.msk vm0, v12  }
0x118: {  	v10 =	vunpack.i.u.bf16.f32 v15;
	v14 =	vmul.f32 v11, v9;
	v11 =	vld.idx.msk [tilespmem:v1+s21+$0x0], $0xffff  }
0x119: {  	v15 =	vunpack.i.u.bf16.f32 v17;
	v12 =	vunpack.i.l.bf16.f32 v17;
	v13 =	vmul.f32 v10, v9  }
0x11a: {  	p1 =	por !p1, !p1;
	s5 =	simm.s32 $0x0;
	s6 =	simm.s32 $0x0;
	v12 =	vmul.f32 v12, v6;
	v10 =	vmul.f32 v15, v6;
	[tilespmem:v8+s28+$0x0] =	vst.idx.add.f32.msk $0xffff, v14  }
.LBB2_7:
0x11b: {  	s7 =	simm.s32 $0x1  }
0x11c: {  	[tilespmem:v8+s29+$0x0] =	vst.idx.add.f32.msk $0xffff, v13;
	s4 =	sadd.s32 $0x80, s4;
	s6 =	sadd.s32 $0x40, s6;
	s7 =	simm.s32 @!p1 $0x0  }
0x11d: {  	v8 =	vunpack.i.u.bf16.f32 v11;
	v11 =	vunpack.i.l.bf16.f32 v11;
	s11 =	sand.u32 $0x40, s6;
	s12 =	sand.u32 $0xF00, s4;
	s7 =	sshll.u32 s7, $0x6;
	[tilespmem:v7+s30+$0x0] =	vst.idx.add.f32.msk vm0, v9  }
0x11e: {  	v13 =	vmul.f32 v11, v5;
	v14 =	vmul.f32 v8, v5;
	s11 =	sor.u32 s11, s12;
	s7 =	sadd.s32 s7, s4;
	[tilespmem:v4+s28+$0x0] =	vst.idx.add.f32.msk $0xffff, v12  }
0x11f: {  	s5 =	sadd.s32 $0x4, s5;
	s12 =	sadd.s32 $0x14800, s11;
	v15 =	vld [tilespmem:s11+$0x14800];
	s11 =	sadd.s32 $0x30, s7  }
0x120: {  	p2 =	slt.u32 s5, $0x5C;
	s13 =	sadd.s32 $0x10, s7;
	v11 =	vld [tilespmem:s12+$0x30];
	s11 =	sor.u32 $0x80, s11  }
0x121: {  	s14 =	sor.u32 $0x80, s7;
	s7 =	sadd.s32 $0x20, s7;
	s13 =	sor.u32 $0x80, s13;
	v12 =	vld [tilespmem:s11+$0x14800]  }
0x122: {  	s7 =	sor.u32 $0x80, s7;
	v7 =	vld [tilespmem:s12+$0x10]  }
0x123: {  	v16 =	vld [tilespmem:s12+$0x20]  }
0x124: {  	v8 =	vld [tilespmem:s13+$0x14800]  }
0x125: {  	v17 =	vld [tilespmem:s7+$0x14800]  }
0x126: {  	v18 =	vld [tilespmem:s14+$0x14800]  }
0x127: {  	v19 =	vld.idx.msk [tilespmem:v15+s20+$0x0], $0xffff  }
0x128: {  	v20 =	vld.idx.msk [tilespmem:v11+s20+$0x0], $0xffff  }
0x129: {  	v21 =	vld.idx.msk [tilespmem:v12+s3+$0x0], $0xffff  }
0x12a: {  	v22 =	vld.idx.msk [tilespmem:v7+s20+$0x0], $0xffff  }
0x12b: {  	v23 =	vld.idx.msk [tilespmem:v16+s20+$0x0], $0xffff  }
0x12c: {  	v9 =	vld.idx.msk [tilespmem:v8+s3+$0x0], $0xffff  }
0x12d: {  	v24 =	vunpack.i.u.bf16.f32 v19;
	v19 =	vunpack.i.l.bf16.f32 v19;
	v25 =	vld.idx.msk [tilespmem:v17+s3+$0x0], $0xffff  }
0x12e: {  	v27 =	vunpack.i.l.bf16.f32 v20;
	v26 =	vld.idx.msk [tilespmem:v18+s3+$0x0], $0xffff  }
0x12f: {  	v20 =	vunpack.i.u.bf16.f32 v20;
	v27 =	vmul.f32 v27, v21;
	[tilespmem:v4+s29+$0x0] =	vst.idx.add.f32.msk $0xffff, v10;
	v4 =	vmov v17  }
0x130: {  	v20 =	vmul.f32 v20, v21;
	v10 =	vunpack.i.u.bf16.f32 v22;
	v17 =	vunpack.i.l.bf16.f32 v22;
	[tilespmem:v2+s30+$0x0] =	vst.idx.add.f32.msk vm0, v6;
	v2 =	vmovc v16  }
0x131: {  	v28 =	vunpack.i.u.bf16.f32 v23;
	v16 =	vunpack.i.l.bf16.f32 v23;
	[tilespmem:v12+s25+$0x0] =	vst.idx.add.f32.msk $0xffff, v27  }
0x132: {  	v17 =	vmul.f32 v17, v9;
	v10 =	vmul.f32 v10, v9;
	[tilespmem:v12+s26+$0x0] =	vst.idx.add.f32.msk $0xffff, v20  }
0x133: {  	v16 =	vmul.f32 v16, v25;
	v20 =	vmul.f32 v28, v25;
	v6 =	vmov v25;
	v22 =	vld.idx.msk [tilespmem:v11+s21+$0x0], $0xffff  }
0x134: {  	v19 =	vmul.f32 v19, v26;
	v23 =	vmul.f32 v24, v26;
	[tilespmem:v8+s25+$0x0] =	vst.idx.add.f32.msk $0xffff, v17  }
0x135: {  	[tilespmem:v8+s26+$0x0] =	vst.idx.add.f32.msk $0xffff, v10  }
0x136: {  	[tilespmem:v4+s25+$0x0] =	vst.idx.add.f32.msk $0xffff, v16  }
0x137: {  	[tilespmem:v4+s26+$0x0] =	vst.idx.add.f32.msk $0xffff, v20  }
0x138: {  	[tilespmem:v18+s25+$0x0] =	vst.idx.add.f32.msk $0xffff, v19  }
0x139: {  	v10 =	vunpack.i.l.bf16.f32 v22;
	[tilespmem:v18+s26+$0x0] =	vst.idx.add.f32.msk $0xffff, v23  }
0x13a: {  	v17 =	vunpack.i.u.bf16.f32 v22;
	v10 =	vmul.f32 v10, v21;
	v16 =	vld.idx.msk [tilespmem:v7+s21+$0x0], $0xffff  }
0x13b: {  	v17 =	vmul.f32 v17, v21;
	v19 =	vld.idx.msk [tilespmem:v2+s21+$0x0], $0xffff  }
0x13c: {  	[tilespmem:v12+s28+$0x0] =	vst.idx.add.f32.msk $0xffff, v10  }
0x13d: {  	[tilespmem:v12+s29+$0x0] =	vst.idx.add.f32.msk $0xffff, v17  }
0x13e: {  	[tilespmem:v11+s30+$0x0] =	vst.idx.add.f32.msk vm0, v21  }
.Ltmp4:
0x13f: {  	v11 =	vld.idx.msk [tilespmem:v15+s21+$0x0], $0xffff;
	(pc) =	sbr.rel @p2 .LBB2_7-.Ltmp4, $4  }
0x140: {  	v10 =	vunpack.i.u.bf16.f32 v16;
	v12 =	vunpack.i.l.bf16.f32 v16;
	[tilespmem:v3+s28+$0x0] =	vst.idx.add.f32.msk $0xffff, v13  }
0x141: {  	v16 =	vmul.f32 v12, v9;
	v17 =	vunpack.i.u.bf16.f32 v19;
	v12 =	vunpack.i.l.bf16.f32 v19;
	[tilespmem:v3+s29+$0x0] =	vst.idx.add.f32.msk $0xffff, v14;
	v3 =	vmovc v18  }
0x142: {  	v13 =	vmul.f32 v10, v9;
	v12 =	vmul.f32 v12, v6;
	[tilespmem:v1+s30+$0x0] =	vst.idx.add.f32.msk vm0, v5;
	v1 =	vmov v15  }
0x143: {  	p1 =	por !p1, !p1;
	v10 =	vmul.f32 v17, v6;
	v5 =	vmov v26;
	[tilespmem:v8+s28+$0x0] =	vst.idx.add.f32.msk $0xffff, v16  }
0x144: {  	_ =	sdelay $0x3  }
0x145: {  	[tilespmem:v8+s29+$0x0] =	vst.idx.add.f32.msk $0xffff, v13  }
0x146: {  	[tilespmem:v4+s28+$0x0] =	vst.idx.add.f32.msk $0xffff, v12;
	s17 =	sadd.s32 $0x1, s17  }
0x147: {  	v61 =	vunpack.i.l.bf16.f32 v11;
	[tilespmem:v7+s30+$0x0] =	vst.idx.add.f32.msk vm0, v9;
	p1 =	sne.s32 s17, $0xD  }
.Ltmp5:
0x148: {  	v62 =	vunpack.i.u.bf16.f32 v11;
	v7 =	vmul.f32 v61, v5;
	[tilespmem:v4+s29+$0x0] =	vst.idx.add.f32.msk $0xffff, v10;
	(pc) =	sbr.rel @p1 .LBB2_4-.Ltmp5, $4  }
0x149: {  	v63 =	vmul.f32 v62, v5;
	[tilespmem:v2+s30+$0x0] =	vst.idx.add.f32.msk vm0, v6  }
0x14a: {  	[tilespmem:v3+s28+$0x0] =	vst.idx.add.f32.msk $0xffff, v7  }
0x14b: {  	[tilespmem:v3+s29+$0x0] =	vst.idx.add.f32.msk $0xffff, v63  }
0x14c: {  	[tilespmem:v1+s30+$0x0] =	vst.idx.add.f32.msk vm0, v5  }
.Ltmp6:
0x14d: {  	(pc) =	sbr.rel @p0 .LBB2_13-.Ltmp6, $1  }
0x14e: {  	_ =	sdelay $0x3  }
0x14f: {  	s4 =	simm.s32 $0x0;
	s5 =	rddreg [dreg:$0x7];
	s6 =	simm.s32 $0x15400  }
0x150: {  	[tilespmem:s6], [sflag:$0x4] =	stream.linear.gather [hbm4b:s5+s4], $0x400, $0x38;
	[tilespmem:$0x15800] =	vst v63  }
0x151: {  	p1 =	por $0x0, $0x0;
	s5 =	simm.s32 $0x1;
	_ =	swait.ge [sflag:s1], $0x400  }
0x152: {  	s14 =	sand.u32 $0x40, s4;
	s4 =	sand.u32 $0x300, s4;
	[sflag:s1] =	ssyncset.done $0x0  }
0x153: {  	s5 =	simm.s32 @!p1 $0x0;
	s4 =	sor.u32 s14, s4;
	[sflag:s1] =	ssyncadd.s32 $0xFFFFFC00  }
0x154: {  	s5 =	sshll.u32 s5, $0x6;
	v3 =	vld [tilespmem:s4+$0x15430]  }
0x155: {  	s5 =	sadd.s32 $0x0, s5;
	v1 =	vld [tilespmem:s4+$0x15400]  }
0x156: {  	s15 =	sadd.s32 $0x30, s5;
	v5 =	vld [tilespmem:s4+$0x15410]  }
0x157: {  	p1 =	por !p1, !p1;
	v13 =	vld [tilespmem:s4+$0x15420];
	s4 =	simm.s32 $0x1;
	s6 =	sor.u32 $0x80, s15  }
0x158: {  	s4 =	simm.s32 @!p1 $0x0;
	v4 =	vld [tilespmem:s6+$0x15400]  }
0x159: {  	s17 =	sadd.s32 $0x10, s5;
	s10 =	sor.u32 $0x80, s5;
	s11 =	sshll.u32 s4, $0x6  }
0x15a: {  	s7 =	sadd.s32 $0x20, s5;
	v12 =	vld [tilespmem:s10+$0x15400];
	s6 =	sor.u32 $0x80, s17;
	s5 =	sadd.s32 $0x80, s11  }
0x15b: {  	s7 =	sor.u32 $0x80, s7;
	v6 =	vld [tilespmem:s6+$0x15400];
	s14 =	sadd.s32 $0x30, s5  }
0x15c: {  	v14 =	vld [tilespmem:s7+$0x15400];
	s7 =	sor.u32 $0x80, s14  }
0x15d: {  	v19 =	vld [tilespmem:s7+$0x15400]  }
0x15e: {  	v2 =	vld.idx.msk [tilespmem:v3+s20+$0x0], $0xffff  }
0x15f: {  	v8 =	vld.idx.msk [tilespmem:v1+s20+$0x0], $0xffff  }
0x160: {  	v7 =	vld.idx.msk [tilespmem:v4+s3+$0x0], $0xffff  }
0x161: {  	v9 =	vld.idx.msk [tilespmem:v5+s20+$0x0], $0xffff  }
0x162: {  	v11 =	vld.idx.msk [tilespmem:v13+s20+$0x0], $0xffff  }
0x163: {  	v10 =	vld.idx.msk [tilespmem:v6+s3+$0x0], $0xffff  }
0x164: {  	v16 =	vld.idx.msk [tilespmem:v14+s3+$0x0], $0xffff;
	v15 =	vunpack.i.l.bf16.f32 v2  }
0x165: {  	v17 =	vunpack.i.u.bf16.f32 v2;
	v2 =	vld.idx.msk [tilespmem:v12+s3+$0x0], $0xffff;
	v15 =	vmul.f32 v15, v7  }
0x166: {  	v21 =	vld.idx.msk [tilespmem:v19+s3+$0x0], $0xffff;
	v17 =	vmul.f32 v17, v7  }
0x167: {  	v18 =	vunpack.i.l.bf16.f32 v9;
	[tilespmem:v4+s25+$0x0] =	vst.idx.add.f32.msk $0xffff, v15  }
0x168: {  	v9 =	vunpack.i.u.bf16.f32 v9;
	v15 =	vmul.f32 v18, v10;
	[tilespmem:v4+s26+$0x0] =	vst.idx.add.f32.msk $0xffff, v17  }
0x169: {  	v9 =	vmul.f32 v9, v10;
	v17 =	vunpack.i.l.bf16.f32 v11;
	v18 =	vld.idx.msk [tilespmem:v3+s21+$0x0], $0xffff  }
0x16a: {  	v17 =	vmul.f32 v17, v16;
	[tilespmem:v6+s25+$0x0] =	vst.idx.add.f32.msk $0xffff, v15  }
0x16b: {  	v11 =	vunpack.i.u.bf16.f32 v11;
	[tilespmem:v6+s26+$0x0] =	vst.idx.add.f32.msk $0xffff, v9  }
0x16c: {  	v11 =	vmul.f32 v11, v16;
	v9 =	vunpack.i.l.bf16.f32 v8;
	[tilespmem:v14+s25+$0x0] =	vst.idx.add.f32.msk $0xffff, v17  }
0x16d: {  	v9 =	vmul.f32 v9, v2;
	v15 =	vld.idx.msk [tilespmem:v5+s21+$0x0], $0xffff  }
0x16e: {  	v8 =	vunpack.i.u.bf16.f32 v8;
	[tilespmem:v14+s26+$0x0] =	vst.idx.add.f32.msk $0xffff, v11  }
0x16f: {  	v8 =	vmul.f32 v8, v2;
	[tilespmem:v12+s25+$0x0] =	vst.idx.add.f32.msk $0xffff, v9  }
0x170: {  	v17 =	vld.idx.msk [tilespmem:v13+s21+$0x0], $0xffff;
	v11 =	vunpack.i.l.bf16.f32 v18  }
0x171: {  	v9 =	vunpack.i.u.bf16.f32 v18;
	[tilespmem:v12+s26+$0x0] =	vst.idx.add.f32.msk $0xffff, v8;
	v11 =	vmul.f32 v11, v7  }
0x172: {  	v8 =	vmul.f32 v9, v7;
	v18 =	vld.idx.msk [tilespmem:v1+s21+$0x0], $0xffff  }
0x173: {  	s10 =	simm.s32 $0x40;
	s4 =	simm.s32 $0x80;
	[tilespmem:v4+s28+$0x0] =	vst.idx.add.f32.msk $0xffff, v11  }
0x174: {  	s12 =	sand.u32 $0x40, s10;
	s13 =	sand.u32 $0x300, s4;
	[tilespmem:v4+s29+$0x0] =	vst.idx.add.f32.msk $0xffff, v8  }
0x175: {  	s6 =	sor.u32 s12, s13;
	[tilespmem:v3+s30+$0x0] =	vst.idx.add.f32.msk vm0, v7;
	v3 =	vunpack.i.l.bf16.f32 v15  }
0x176: {  	v8 =	vld [tilespmem:s6+$0x15410];
	v3 =	vmul.f32 v3, v10  }
0x177: {  	v4 =	vunpack.i.u.bf16.f32 v15;
	v15 =	vld [tilespmem:s6+$0x15430];
	v7 =	vunpack.i.l.bf16.f32 v17  }
0x178: {  	v25 =	vmul.f32 v7, v16;
	[tilespmem:v6+s28+$0x0] =	vst.idx.add.f32.msk $0xffff, v3  }
0x179: {  	v4 =	vmul.f32 v4, v10;
	v3 =	vld [tilespmem:s6+$0x15420]  }
0x17a: {  	s11 =	sadd.s32 $0x20, s5;
	[tilespmem:v14+s28+$0x0] =	vst.idx.add.f32.msk $0xffff, v25  }
0x17b: {  	s17 =	sor.u32 $0x80, s11;
	[tilespmem:v6+s29+$0x0] =	vst.idx.add.f32.msk $0xffff, v4  }
0x17c: {  	s15 =	sadd.s32 $0x10, s5;
	s5 =	sor.u32 $0x80, s5;
	v6 =	vld [tilespmem:s17+$0x15400]  }
0x17d: {  	v17 =	vunpack.i.u.bf16.f32 v17;
	v4 =	vld [tilespmem:s5+$0x15400]  }
0x17e: {  	s7 =	sor.u32 $0x80, s15;
	v17 =	vmul.f32 v17, v16;
	[tilespmem:v5+s30+$0x0] =	vst.idx.add.f32.msk vm0, v10  }
0x17f: {  	v10 =	vld [tilespmem:s7+$0x15400]  }
0x180: {  	[tilespmem:v14+s29+$0x0] =	vst.idx.add.f32.msk $0xffff, v17  }
0x181: {  	v5 =	vld [tilespmem:s6+$0x15400]  }
0x182: {  	v20 =	vld.idx.msk [tilespmem:v15+s20+$0x0], $0xffff  }
0x183: {  	[tilespmem:v13+s30+$0x0] =	vst.idx.add.f32.msk vm0, v16  }
0x184: {  	v23 =	vld.idx.msk [tilespmem:v8+s20+$0x0], $0xffff  }
0x185: {  	v24 =	vld.idx.msk [tilespmem:v3+s20+$0x0], $0xffff  }
0x186: {  	v7 =	vld.idx.msk [tilespmem:v6+s3+$0x0], $0xffff  }
0x187: {  	v11 =	vld.idx.msk [tilespmem:v10+s3+$0x0], $0xffff;
	v26 =	vunpack.i.l.bf16.f32 v20  }
0x188: {  	v9 =	vld.idx.msk [tilespmem:v4+s3+$0x0], $0xffff;
	v20 =	vunpack.i.u.bf16.f32 v20;
	v26 =	vmul.f32 v26, v21  }
0x189: {  	v22 =	vld.idx.msk [tilespmem:v5+s20+$0x0], $0xffff;
	v20 =	vmul.f32 v20, v21  }
0x18a: {  	[tilespmem:v19+s25+$0x0] =	vst.idx.add.f32.msk $0xffff, v26;
	v59 =	vunpack.i.l.bf16.f32 v24  }
0x18b: {  	v55 =	vunpack.i.l.bf16.f32 v23;
	[tilespmem:v19+s26+$0x0] =	vst.idx.add.f32.msk $0xffff, v20;
	v17 =	vmul.f32 v59, v7  }
0x18c: {  	v14 =	vunpack.i.u.bf16.f32 v24;
	v57 =	vmul.f32 v55, v11;
	v58 =	vld.idx.msk [tilespmem:v15+s21+$0x0], $0xffff  }
0x18d: {  	v56 =	vunpack.i.u.bf16.f32 v23;
	v14 =	vmul.f32 v14, v7;
	[tilespmem:v6+s25+$0x0] =	vst.idx.add.f32.msk $0xffff, v17  }
0x18e: {  	v20 =	vmul.f32 v56, v11;
	v60 =	vunpack.i.l.bf16.f32 v22;
	[tilespmem:v10+s25+$0x0] =	vst.idx.add.f32.msk $0xffff, v57  }
0x18f: {  	v61 =	vunpack.i.u.bf16.f32 v22;
	v62 =	vmul.f32 v60, v9;
	[tilespmem:v6+s26+$0x0] =	vst.idx.add.f32.msk $0xffff, v14  }
0x190: {  	v17 =	vmul.f32 v61, v9;
	[tilespmem:v10+s26+$0x0] =	vst.idx.add.f32.msk $0xffff, v20  }
0x191: {  	[tilespmem:v4+s25+$0x0] =	vst.idx.add.f32.msk $0xffff, v62;
	v14 =	vunpack.i.l.bf16.f32 v58  }
0x192: {  	[tilespmem:v4+s26+$0x0] =	vst.idx.add.f32.msk $0xffff, v17;
	v17 =	vunpack.i.u.bf16.f32 v58;
	v14 =	vmul.f32 v14, v21  }
0x193: {  	v63 =	vld.idx.msk [tilespmem:v8+s21+$0x0], $0xffff;
	v17 =	vmul.f32 v17, v21  }
0x194: {  	[tilespmem:v19+s28+$0x0] =	vst.idx.add.f32.msk $0xffff, v14  }
0x195: {  	v14 =	vunpack.i.l.bf16.f32 v18;
	[tilespmem:v19+s29+$0x0] =	vst.idx.add.f32.msk $0xffff, v17  }
0x196: {  	v17 =	vunpack.i.u.bf16.f32 v18;
	v18 =	vmul.f32 v14, v2;
	v14 =	vld.idx.msk [tilespmem:v5+s21+$0x0], $0xffff  }
0x197: {  	[tilespmem:v15+s30+$0x0] =	vst.idx.add.f32.msk vm0, v21  }
0x198: {  	v15 =	vld.idx.msk [tilespmem:v3+s21+$0x0], $0xffff;
	v17 =	vmul.f32 v17, v2  }
0x199: {  	v13 =	vunpack.i.u.bf16.f32 v63;
	v16 =	vunpack.i.l.bf16.f32 v63;
	[tilespmem:v12+s28+$0x0] =	vst.idx.add.f32.msk $0xffff, v18  }
0x19a: {  	p1 =	por !p1, !p1;
	s5 =	simm.s32 $0x4;
	v16 =	vmul.f32 v16, v11;
	v13 =	vmul.f32 v13, v11;
	[tilespmem:v12+s29+$0x0] =	vst.idx.add.f32.msk $0xffff, v17  }
.LBB2_11:
0x19b: {  	s6 =	simm.s32 $0x1  }
0x19c: {  	[tilespmem:v10+s28+$0x0] =	vst.idx.add.f32.msk $0xffff, v16;
	s6 =	simm.s32 @!p1 $0x0  }
0x19d: {  	v12 =	vunpack.i.l.bf16.f32 v15;
	s4 =	sadd.s32 $0x80, s4;
	s10 =	sadd.s32 $0x40, s10;
	s6 =	sshll.u32 s6, $0x6;
	[tilespmem:v10+s29+$0x0] =	vst.idx.add.f32.msk $0xffff, v13;
	v10 =	vunpack.i.u.bf16.f32 v15  }
0x19e: {  	s7 =	sand.u32 $0x40, s10;
	s11 =	sand.u32 $0x300, s4;
	v12 =	vmul.f32 v12, v7;
	v13 =	vunpack.i.u.bf16.f32 v14;
	v14 =	vunpack.i.l.bf16.f32 v14;
	s6 =	sadd.s32 s6, s4;
	[tilespmem:v8+s30+$0x0] =	vst.idx.add.f32.msk vm0, v11  }
0x19f: {  	s5 =	sadd.s32 $0x4, s5;
	s7 =	sor.u32 s7, s11;
	v17 =	vmul.f32 v14, v9;
	v14 =	vmul.f32 v10, v7;
	s11 =	sadd.s32 $0x30, s6;
	[tilespmem:v1+s30+$0x0] =	vst.idx.add.f32.msk vm0, v2;
	v1 =	vmov v5  }
0x1a0: {  	p2 =	slt.u32 s5, $0x1C;
	v18 =	vmul.f32 v13, v9;
	s12 =	sadd.s32 $0x10, s6;
	v2 =	vmov v9;
	v15 =	vld [tilespmem:s7+$0x15430];
	s11 =	sor.u32 $0x80, s11  }
0x1a1: {  	s13 =	sor.u32 $0x80, s6;
	s6 =	sadd.s32 $0x20, s6;
	s12 =	sor.u32 $0x80, s12;
	v13 =	vld [tilespmem:s11+$0x15400]  }
0x1a2: {  	s6 =	sor.u32 $0x80, s6;
	v5 =	vld [tilespmem:s7+$0x15400]  }
0x1a3: {  	v8 =	vld [tilespmem:s7+$0x15410]  }
0x1a4: {  	v16 =	vld [tilespmem:s7+$0x15420]  }
0x1a5: {  	v10 =	vld [tilespmem:s12+$0x15400]  }
0x1a6: {  	v19 =	vld [tilespmem:s6+$0x15400]  }
0x1a7: {  	v20 =	vld [tilespmem:s13+$0x15400]  }
0x1a8: {  	v21 =	vld.idx.msk [tilespmem:v15+s20+$0x0], $0xffff  }
0x1a9: {  	v22 =	vld.idx.msk [tilespmem:v13+s3+$0x0], $0xffff  }
0x1aa: {  	v23 =	vld.idx.msk [tilespmem:v5+s20+$0x0], $0xffff  }
0x1ab: {  	v24 =	vld.idx.msk [tilespmem:v8+s20+$0x0], $0xffff  }
0x1ac: {  	v25 =	vld.idx.msk [tilespmem:v16+s20+$0x0], $0xffff  }
0x1ad: {  	v11 =	vld.idx.msk [tilespmem:v10+s3+$0x0], $0xffff  }
0x1ae: {  	v27 =	vunpack.i.l.bf16.f32 v21;
	v26 =	vld.idx.msk [tilespmem:v19+s3+$0x0], $0xffff  }
0x1af: {  	v21 =	vunpack.i.u.bf16.f32 v21;
	v27 =	vmul.f32 v27, v22;
	v9 =	vld.idx.msk [tilespmem:v20+s3+$0x0], $0xffff  }
0x1b0: {  	v21 =	vmul.f32 v21, v22;
	v28 =	vunpack.i.u.bf16.f32 v23;
	v23 =	vunpack.i.l.bf16.f32 v23;
	[tilespmem:v6+s28+$0x0] =	vst.idx.add.f32.msk $0xffff, v12  }
0x1b1: {  	v12 =	vunpack.i.u.bf16.f32 v24;
	v24 =	vunpack.i.l.bf16.f32 v24;
	[tilespmem:v13+s25+$0x0] =	vst.idx.add.f32.msk $0xffff, v27  }
0x1b2: {  	v27 =	vunpack.i.u.bf16.f32 v25;
	v25 =	vunpack.i.l.bf16.f32 v25;
	[tilespmem:v13+s26+$0x0] =	vst.idx.add.f32.msk $0xffff, v21  }
0x1b3: {  	v21 =	vmul.f32 v24, v11;
	v12 =	vmul.f32 v12, v11;
	v24 =	vld.idx.msk [tilespmem:v15+s21+$0x0], $0xffff  }
0x1b4: {  	v25 =	vmul.f32 v25, v26;
	v27 =	vmul.f32 v27, v26;
	[tilespmem:v6+s29+$0x0] =	vst.idx.add.f32.msk $0xffff, v14;
	v6 =	vmov v19  }
0x1b5: {  	v14 =	vmul.f32 v23, v9;
	v23 =	vmul.f32 v28, v9;
	[tilespmem:v10+s25+$0x0] =	vst.idx.add.f32.msk $0xffff, v21  }
0x1b6: {  	[tilespmem:v10+s26+$0x0] =	vst.idx.add.f32.msk $0xffff, v12  }
0x1b7: {  	[tilespmem:v19+s25+$0x0] =	vst.idx.add.f32.msk $0xffff, v25  }
0x1b8: {  	[tilespmem:v19+s26+$0x0] =	vst.idx.add.f32.msk $0xffff, v27  }
0x1b9: {  	v12 =	vunpack.i.l.bf16.f32 v24;
	[tilespmem:v20+s25+$0x0] =	vst.idx.add.f32.msk $0xffff, v14  }
0x1ba: {  	v14 =	vunpack.i.u.bf16.f32 v24;
	v12 =	vmul.f32 v12, v22;
	[tilespmem:v20+s26+$0x0] =	vst.idx.add.f32.msk $0xffff, v23  }
0x1bb: {  	v14 =	vmul.f32 v14, v22;
	v19 =	vld.idx.msk [tilespmem:v8+s21+$0x0], $0xffff  }
0x1bc: {  	[tilespmem:v13+s28+$0x0] =	vst.idx.add.f32.msk $0xffff, v12  }
0x1bd: {  	[tilespmem:v13+s29+$0x0] =	vst.idx.add.f32.msk $0xffff, v14  }
0x1be: {  	[tilespmem:v15+s30+$0x0] =	vst.idx.add.f32.msk vm0, v22  }
.Ltmp7:
0x1bf: {  	v15 =	vld.idx.msk [tilespmem:v16+s21+$0x0], $0xffff;
	(pc) =	sbr.rel @p2 .LBB2_11-.Ltmp7, $4  }
0x1c0: {  	v14 =	vld.idx.msk [tilespmem:v5+s21+$0x0], $0xffff  }
0x1c1: {  	v12 =	vunpack.i.u.bf16.f32 v19;
	v13 =	vunpack.i.l.bf16.f32 v19;
	[tilespmem:v3+s30+$0x0] =	vst.idx.add.f32.msk vm0, v7;
	v3 =	vmovc v16;
	v7 =	vmov v26  }
0x1c2: {  	v16 =	vmul.f32 v13, v11;
	v13 =	vmul.f32 v12, v11;
	[tilespmem:v4+s28+$0x0] =	vst.idx.add.f32.msk $0xffff, v17  }
0x1c3: {  	p1 =	por !p1, !p1;
	[tilespmem:v4+s29+$0x0] =	vst.idx.add.f32.msk $0xffff, v18;
	v4 =	vmov v20  }
0x1c4: {  	_ =	sdelay $0x3  }
0x1c5: {  	[tilespmem:v10+s28+$0x0] =	vst.idx.add.f32.msk $0xffff, v16  }
0x1c6: {  	v61 =	vunpack.i.l.bf16.f32 v15;
	[tilespmem:v1+s30+$0x0] =	vst.idx.add.f32.msk vm0, v2  }
0x1c7: {  	v12 =	vunpack.i.u.bf16.f32 v15;
	[tilespmem:v10+s29+$0x0] =	vst.idx.add.f32.msk $0xffff, v13;
	v62 =	vmul.f32 v61, v7  }
0x1c8: {  	v63 =	vmul.f32 v12, v7;
	v1 =	vunpack.i.l.bf16.f32 v14;
	[tilespmem:v8+s30+$0x0] =	vst.idx.add.f32.msk vm0, v11  }
0x1c9: {  	v1 =	vmul.f32 v1, v9;
	[tilespmem:v6+s28+$0x0] =	vst.idx.add.f32.msk $0xffff, v62  }
.Ltmp8:
0x1ca: {  	v2 =	vunpack.i.u.bf16.f32 v14;
	[tilespmem:v6+s29+$0x0] =	vst.idx.add.f32.msk $0xffff, v63;
	(pc) =	sbr.rel .LBB2_13-.Ltmp8, $4  }
0x1cb: {  	v2 =	vmul.f32 v2, v9;
	[tilespmem:v4+s28+$0x0] =	vst.idx.add.f32.msk $0xffff, v1  }
0x1cc: {  	[tilespmem:v3+s30+$0x0] =	vst.idx.add.f32.msk vm0, v7  }
0x1cd: {  	[tilespmem:v4+s29+$0x0] =	vst.idx.add.f32.msk $0xffff, v2  }
0x1ce: {  	[tilespmem:v5+s30+$0x0] =	vst.idx.add.f32.msk vm0, v9  }
.LBB2_14:
0x1cf: {  	_ =	sfence.sel $0x180000  }
0x1d0: {  	[bflag:$0x0] =	sbarrier.arrive $0xFFFF  }
0x1d1: {  	_ =	strace $0x9000004A  }
0x1d2: {  	s0 =	stileid.u32;
	[bflag:$0x2] =	sbarrier.arrive $0xFFFF  }
0x1d3: {  	p0 =	sne.s32 s0, $0x0;
	s0 =	rddreg [dreg:$0x2]  }
0x1d4: {  	s0 =	sadd.s32 @!p0 $0x100000, s0  }
0x1d5: {  	[sflag:s0] =	ssyncadd.tile.s32 @!p0 $0x1;
	_ =	shalt  }
.Lfunc_end2:
_tile_overlayer_lowered:
.L_overlay_start_2:
0x1d6: {  	(tag) =	ssettag $0x2  }
0x1d7: {  	s0 =	rddreg [dreg:$0x0];
	s2 =	stileid.u32  }
0x1d8: {  	s1 =	rddreg [dreg:$0x1];
	p0 =	sne.s32 s2, $0x0  }
0x1d9: {  	s3 =	rddreg [dreg:$0x2];
	[bflag:$0x3] =	sbarrier.arrive $0xFFFF;
	s2 =	simm.s32 @!p0 $0x1C04  }
0x1da: {  	[timem:s3], [sflag:s2] =	dma.local @!p0 [hbm:s0], s1  }
0x1db: {  	s0 =	simm.s32 @!p0 $0x4  }
0x1dc: {  	_ =	swait.ge @!p0 [sflag:s0], s1  }
0x1dd: {  	s1 =	ssub.s32 @!p0 $0x0, s1;
	[sflag:s0] =	ssyncset.done @!p0 $0x0  }
0x1de: {  	[sflag:s0] =	ssyncadd.s32 @!p0 s1  }
0x1df: {  	[bflag:$0x3] =	sbarrier.arrive $0xFFFF  }
0x1e0: {  	_ =	shalt  }

// kernel: kernel.7.cloned.1.call-start
scs
__scs_entry_jumppad:
0x0: {  	(pc) =	sbr.rel $0x88, $3  }
0x1: {  	(tag) =	ssettag $0x0;
	lr =	simm.s32 $0x1  }
0x2: {  	[smem:$0x3F9B] =	sst lr;
	_ =	strace $0xD0000000  }
0x3: {  	_ = 	snop  }
0x4: {  	_ = 	snop  }
0x5: {  	_ = 	snop  }
0x6: {  	_ = 	snop  }
0x7: {  	_ = 	snop  }
__scs_overlays_trampoline_lowered:
0x8: {  	[smem:$0x3FAA] =	sst s0  }
0x9: {  	[smem:$0x3FAB] =	sst s1  }
0xa: {  	[smem:$0x3FAC] =	sst s2  }
0xb: {  	[smem:$0x3FAD] =	sst s3  }
0xc: {  	[smem:$0x3FAE] =	sst s4  }
0xd: {  	[smem:$0x3FAF] =	sst s5  }
0xe: {  	[smem:$0x3FB0] =	sst s6  }
0xf: {  	[smem:$0x3FB1] =	sst s7  }
0x10: {  	[smem:$0x3FB2] =	sst s8  }
0x11: {  	[smem:$0x3FB3] =	sst s9;
	s0 =	simm.s32 @!p0 $0x0  }
0x12: {  	s1 =	sld [smem:$0x3F99];
	s0 =	simm.s32 @p0 $0x1  }
0x13: {  	[smem:$0x3FB4] =	sst s0;
	s0 =	simm.s32 @!p1 $0x0  }
0x14: {  	s2 =	sld [smem:$0x3F98];
	s0 =	simm.s32 @p1 $0x1  }
0x15: {  	[smem:$0x3FB5] =	sst s0;
	s0 =	simm.s32 @!p2 $0x0  }
0x16: {  	s3 =	sld [smem:$0x3FDB];
	s0 =	simm.s32 @p2 $0x1  }
0x17: {  	s4 =	simm.s32 $0x1BF5;
	[smem:$0x3FB7] =	sst s0  }
0x18: {  	s0 =	sld [smem:$0x3F9A];
	_ =	swait.ge [sflag:s4], $0x0  }
0x19: {  	s7 =	sld [smem:$0x3F9B]  }
0x1a: {  	s8 =	sadd.s32 $0xFFFFE003, lr  }
0x1b: {  	s9 =	sadd.s32 $0xFFFFFEF7, lr;
	s5 =	simm.s32 $0xFFFFFFFF;
	p2 =	slt.u32 s8, $0xFFFFF086  }
0x1c: {  	p1 =	slt.u32 s9, $0xF7A;
	s5 =	simm.s32 @!p2 $0x0  }
0x1d: {  	s5 =	simm.s32 @p1 $0x1;
	p0 =	seq.s32 s7, s2  }
0x1e: {  	s7 =	smul.u32 @!p0 $0xF7A, s2;
	p2 =	seq.s32 @!p0 s5, $0x0  }
0x1f: {  	s9 =	smul.u32 $0xF7A, s1;
	s8 =	simm.s32 @!p0 $0x1BF5;
	p2 =	por !p2, p0  }
0x20: {  	[sflag:s8] =	ssyncset.s32 @!p0 $0xFFFFF086;
	s6 =	sadd.s32 @!p0 s3, s7;
	s7 =	simm.s32 @!p0 $0x108  }
0x21: {  	s3 =	sadd.s32 s3, s9;
	s6 =	sadd.s32 @!p0 $0x88, s6;
	s7 =	simm.s32 @p2 $0x1082  }
0x22: {  	[simem:s7], [sflag:s8] =	dma.local @!p0 [hbm:s6], $0xF7A  }
0x23: {  	s9 =	sor.u32 $0xD0000000, s2;
	s6 =	simm.s32 $0x108;
	_ =	swait.ge @!p0 [sflag:s8], $0x0  }
0x24: {  	s3 =	sadd.s32 $0x88, s3;
	s6 =	simm.s32 @!p1 $0x1082;
	[sflag:s4] =	ssyncset.s32 $0xFFFFF086  }
0x25: {  	[simem:s6], [sflag:s4] =	dma.local [hbm:s3], $0xF7A  }
0x26: {  	[smem:$0x3F9B] =	sst s1;
	(tag) =	ssettag s2;
	_ =	strace s9  }
0x27: {  	s1 =	sld [smem:$0x3FAB]  }
0x28: {  	s2 =	sld [smem:$0x3FAC]  }
0x29: {  	s4 =	sld [smem:$0x3FAE]  }
0x2a: {  	p0 =	seq.s32 s5, $0x0;
	s5 =	sld [smem:$0x3FAF]  }
0x2b: {  	s6 =	sld [smem:$0x3FB0]  }
0x2c: {  	s7 =	sld [smem:$0x3FB1]  }
0x2d: {  	s3 =	simm.s32 $0x108;
	s8 =	sld [smem:$0x3FB2]  }
0x2e: {  	s3 =	simm.s32 @!p0 $0x1082;
	s9 =	sld [smem:$0x3FB3]  }
0x2f: {  	lr =	sadd.s32 s0, s3;
	s0 =	sld [smem:$0x3FAA]  }
0x30: {  	s3 =	sld [smem:$0x3FAD]  }
0x31: {  	[smem:$0x3FB6] =	sst s10  }
0x32: {  	s10 =	sld [smem:$0x3FB4];
	_ =	sdelay $0x3  }
0x33: {  	p0 =	seq.s32 s10, $0x1;
	s10 =	sld [smem:$0x3FB6];
	_ =	sdelay $0x3  }
0x34: {  	[smem:$0x3FB6] =	sst s10  }
0x35: {  	s10 =	sld [smem:$0x3FB5];
	_ =	sdelay $0x3  }
0x36: {  	p1 =	seq.s32 s10, $0x1;
	s10 =	sld [smem:$0x3FB6];
	_ =	sdelay $0x3  }
0x37: {  	[smem:$0x3FB6] =	sst s10  }
0x38: {  	s10 =	sld [smem:$0x3FB7]  }
0x39: {  	_ = 	snop;
	(pc) =	sbr.ind lr, $3  }
0x3a: {  	_ = 	snop  }
0x3b: {  	_ = 	snop  }
0x3c: {  	p2 =	seq.s32 s10, $0x1;
	s10 =	sld [smem:$0x3FB6]  }
0x3d: {  	_ =	shalt  }
0x3e: {  	_ =	shalt  }
0x3f: {  	_ =	shalt  }
0x40: {  	_ =	shalt  }
0x41: {  	_ =	shalt  }
0x42: {  	_ =	shalt  }
0x43: {  	_ =	shalt  }
0x44: {  	_ =	shalt  }
0x45: {  	_ =	shalt  }
0x46: {  	_ =	shalt  }
0x47: {  	_ =	shalt  }
0x48: {  	_ =	shalt  }
0x49: {  	_ =	shalt  }
0x4a: {  	_ =	shalt  }
0x4b: {  	_ =	shalt  }
0x4c: {  	_ =	shalt  }
0x4d: {  	_ =	shalt  }
0x4e: {  	_ =	shalt  }
0x4f: {  	_ =	shalt  }
0x50: {  	_ =	shalt  }
0x51: {  	_ =	shalt  }
0x52: {  	_ =	shalt  }
0x53: {  	_ =	shalt  }
0x54: {  	_ =	shalt  }
0x55: {  	_ =	shalt  }
0x56: {  	_ =	shalt  }
0x57: {  	_ =	shalt  }
0x58: {  	_ =	shalt  }
0x59: {  	_ =	shalt  }
0x5a: {  	_ =	shalt  }
0x5b: {  	_ =	shalt  }
0x5c: {  	_ =	shalt  }
0x5d: {  	_ =	shalt  }
0x5e: {  	_ =	shalt  }
0x5f: {  	_ =	shalt  }
0x60: {  	_ =	shalt  }
0x61: {  	_ =	shalt  }
0x62: {  	_ =	shalt  }
0x63: {  	_ =	shalt  }
0x64: {  	_ =	shalt  }
0x65: {  	_ =	shalt  }
0x66: {  	_ =	shalt  }
0x67: {  	_ =	shalt  }
0x68: {  	_ =	shalt  }
0x69: {  	_ =	shalt  }
0x6a: {  	_ =	shalt  }
0x6b: {  	_ =	shalt  }
0x6c: {  	_ =	shalt  }
0x6d: {  	_ =	shalt  }
0x6e: {  	_ =	shalt  }
0x6f: {  	_ =	shalt  }
0x70: {  	_ =	shalt  }
0x71: {  	_ =	shalt  }
0x72: {  	_ =	shalt  }
0x73: {  	_ =	shalt  }
0x74: {  	_ =	shalt  }
0x75: {  	_ =	shalt  }
0x76: {  	_ =	shalt  }
0x77: {  	_ =	shalt  }
0x78: {  	_ =	shalt  }
0x79: {  	_ =	shalt  }
0x7a: {  	_ =	shalt  }
0x7b: {  	_ =	shalt  }
0x7c: {  	_ =	shalt  }
0x7d: {  	_ =	shalt  }
0x7e: {  	_ =	shalt  }
0x7f: {  	_ =	shalt  }
0x80: {  	_ =	shalt  }
0x81: {  	_ =	shalt  }
0x82: {  	_ =	shalt  }
0x83: {  	_ =	shalt  }
0x84: {  	_ =	shalt  }
0x85: {  	_ =	shalt  }
0x86: {  	_ =	shalt  }
0x87: {  	_ =	shalt  }
.Lfunc_end0:
.L_simem_size_0:
called_computation_lowered:
.L_overlay_start_0:
0x88: {  	s2 =	sld [smem:$0x3FD9]  }
0x89: {  	s3 =	sld [smem:$0x3FFE];
	_ =	sdelay $0x1  }
0x8a: {  	s1 =	srdreg.scid  }
0x8b: {  	s0 =	sand.u32 $0x1, s1  }
0x8c: {  	s17 =	sshll.u32 s0, $0xA;
	s2 =	sadd.s32 s3, s2  }
0x8d: {  	s2 =	sadd.s32 s2, s17  }
0x8e: {  	[smem:$0x3FC2] =	sst s2  }
0x8f: {  	_ = 	snop  }
0x90: {  	s2 =	sld [smem:$0x3FC8];
	(tm) =	ssettm $0x1  }
0x91: {  	s18 =	sld [smem:$0x3FFB];
	_ =	sdelay $0x3  }
0x92: {  	_ =	strace s18  }
0x93: {  	s3 =	sld [smem:$0x3FFC];
	_ =	sdelay $0x3  }
0x94: {  	_ =	strace s3  }
0x95: {  	s3 =	sld [smem:$0x3FFD];
	_ =	sdelay $0x3  }
0x96: {  	_ =	strace s3  }
0x97: {  	_ =	strace $0x8FFFFFFF  }
0x98: {  	s19 =	sld [smem:$0x3FDB];
	_ =	sdelay $0x1  }
0x99: {  	s4 =	simm.s32 $_scs_section_size  }
0x9a: {  	s5 =	simm.s32 $_size__tile_overlayer_lowered;
	s6 =	simm.s32 $_tile_overlayer_lowered  }
0x9b: {  	s22 =	simm.s32 $0x1BFF;
	s21 =	sshll.u32 s6, $0x1;
	s3 =	sadd.s32 s4, s19  }
0x9c: {  	s7 =	simm.s32 $0x0;
	s20 =	sshll.u32 s5, $0x1;
	s5 =	sadd.s32 s21, s3  }
0x9d: {  	[timem:s7], [sflag:s22] =	dma.local [hbm:s5], s20  }
0x9e: {  	_ =	swait.ge [sflag:s22], s20  }
0x9f: {  	s4 =	ssub.s32 $0x0, s20;
	[sflag:s22] =	ssyncset.done $0x0  }
0xa0: {  	[sflag:s22] =	ssyncadd.s32 s4;
	_ =	sdelay $0x1  }
0xa1: {  	s23 =	simm.s32 $0x1B8B  }
0xa2: {  	_ =	swait.ge [sflag:s23], $0x1  }
0xa3: {  	[sflag:s23] =	ssyncset.done $0x0  }
0xa4: {  	s25 =	simm.s32 $0x1B8E;
	s24 =	sld [smem:$0x3FFE];
	[sflag:s23] =	ssyncadd.s32 $0xFFFFFFFF  }
0xa5: {  	s26 =	simm.s32 $execute0_lowered;
	[smem:$0x3FD2] =	sst s25  }
0xa6: {  	s5 =	sshll.u32 s26, $0x1;
	_ =	strace $0x80000046;
	[dreg:$0x1] =	wrdreg $0xFFFFFFFF  }
0xa7: {  	s28 =	simm.s32 $_size_execute0_lowered;
	s3 =	sadd.s32 s3, s5;
	[dreg:$0x0] =	wrdreg $0x0  }
0xa8: {  	s5 =	sshll.u32 s28, $0x1;
	[dreg:$0x2] =	wrdreg s3  }
0xa9: {  	[dreg:$0x3] =	wrdreg s5  }
0xaa: {  	[dreg:$0x4] =	wrdreg $0xC0  }
0xab: {  	_ =	task [dreg:s7], $0x5FFFF  }
0xac: {  	[dreg:$0x1] =	wrdreg $0xFFFFFFFF  }
0xad: {  	[dreg:$0x0] =	wrdreg $0x60  }
0xae: {  	[dreg:$0x2] =	wrdreg s2  }
0xaf: {  	[dreg:$0x3] =	wrdreg s24  }
0xb0: {  	[dreg:$0x4] =	wrdreg $0x9  }
0xb1: {  	_ =	task.clear_ibuf [dreg:s7], $0x5FFFF;
	_ =	strace $0x90000046  }
0xb2: {  	s29 =	simm.s32 $0x9;
	_ =	strace $0x80000048  }
0xb3: {  	_ =	swait.ge [sflag:s29], $0x1  }
0xb4: {  	[sflag:s29] =	ssyncadd.s32 $0xFFFFFFFF  }
0xb5: {  	_ =	strace $0x90000048  }
0xb6: {  	_ =	sfence  }
0xb7: {  	s30 =	sld [smem:$0x0];
	_ =	sdelay $0x2  }
0xb8: {  	s31 =	sshll.u32 s1, $0xD;
	s1 =	sshrl.u32 s1, $0x2  }
0xb9: {  	s3 =	sand.u32 $0x4000, s31;
	s1 =	sadd.s32 s1, s30  }
0xba: {  	s0 =	sor.u32 s3, s0;
	s1 =	sshll.u32 s1, $0x11  }
0xbb: {  	s0 =	sor.u32 s1, s0  }
0xbc: {  	s0 =	sadd.s32 $0x8F2B, s0  }
0xbd: {  	[sflag:s0] =	ssyncadd.remote.s32 $0x1  }
0xbe: {  	_ =	sfence.sel $0xFFFF  }
0xbf: {  	[dreg:$0x0] =	wrdreg $0xFFFFFFFF;
	(pc) =	sbr.abs _section_cstart, $3  }
0xc0: {  	[dreg:$0x1] =	wrdreg $0xFFFFFFFF  }
0xc1: {  	_ =	task.clear_ibuf [dreg:s7], $0x2FFFF;
	_ =	strace $0x9FFFFFFF  }
0xc2: {  	(tm) =	ssettm $0x7FFFFFFF  }
0xc3: {  	_ =	shalt  }
tec
execute0_lowered:
.L_overlay_start_1:
0x0: {  	(tag) =	ssettag $0x1  }
0x1: {  	s1 =	srdreg.scid;
	s4 =	rddreg [dreg:$0x0]  }
0x2: {  	s0 =	stileid.u32;
	s5 =	rddreg [dreg:$0x1];
	s2 =	simm.s32 $0x0  }
0x3: {  	s10 =	simm.s32 $0x2;
	s11 =	simm.s32 $0x80;
	s12 =	simm.s32 $0x400  }
0x4: {  	s13 =	simm.s32 $0x0;
	s3 =	sand.u32 $0x1, s1;
	s1 =	rddreg [dreg:$0x2]  }
0x5: {  	s28 =	sshll.u32 s0, $0x1;
	s29 =	sshrl.u32 s0, $0x2;
	[smem:$0x7FF] =	sst s2  }
0x6: {  	s9 =	sor.u32 s3, s28;
	s6 =	smul.u32 $0x13C00, s29;
	s3 =	ssub.s32 $0x2, s3  }
0x7: {  	_ =	strace $0x80000047;
	s7 =	sshll.u32 s9, $0x7;
	s8 =	smul.u32 $0x9C0, s9  }
.Ltmp0:
0x8: {  	s30 =	sshrl.u32 s3, $0x1;
	s7 =	sand.u32 $0x380, s7;
	(pc) =	sbr.rel .LBB2_1-.Ltmp0, $4  }
0x9: {  	p0 =	sne.s32 s9, $0x0;
	s9 =	simm.s32 $0x4E00;
	s6 =	sor.u32 s6, s7  }
0xa: {  	s31 =	ssub.s32 s3, s30;
	s3 =	sadd.s32 s4, s8;
	s6 =	sshrl.u32 s6, $0x3  }
0xb: {  	s4 =	sadd.s32 $0x13800, s4;
	s7 =	simm.s32 $0x1;
	s5 =	sadd.s32 s6, s5  }
0xc: {  	v0 =	vimm.f32 $0.0e+00;
	v1 =	vimm.f32 $1.000000000e+00;
	s8 =	simm.s32 $0x5200;
	s6 =	smax.u32 s31, $0x1;
	s5 =	sadd.s32 $0x1C00, s5  }
.LBB2_8:
0xd: {  	_ =	sdelay $0x3  }
0xe: {  	s14 =	sor.u32 s16, s17;
	[tilespmem:v2+s8+$0x0] =	vst.idx.add.f32.msk $0xffff, v1  }
0xf: {  	v2 =	vld [tilespmem:s14+$0x4E80];
	_ =	sdelay $0x7  }
0x10: {  	[tilespmem:v2+s8+$0x0] =	vst.idx.add.f32.msk $0xffff, v1  }
.LBB2_9:
0x11: {  	s13 =	sadd.s32 $0x1, s13  }
0x12: {  	p1 =	sne.s32 s13, s6  }
.Ltmp1:
0x13: {  	_ = 	snop;
	(pc) =	sbr.rel @!p1 .LBB2_10-.Ltmp1, $4  }
0x14: {  	[hbm4b:s5+s11] =	stream.strided.scatter [tilespmem:s8], [sflag:$0x2], $0x2780, s12, s11, $0x38;
	[tilespmem:$0x7980] =	vst v63  }
0x15: {  	_ =	swait.ge [sflag:s10], $0x2780  }
0x16: {  	[sflag:s10] =	ssyncset.done $0x0  }
0x17: {  	[sflag:s10] =	ssyncadd.s32 $0xFFFFD880  }
.LBB2_1:
0x18: {  	[tilespmem:s2], [sflag:$0x1] =	stream.linear.gather [hbm4b:s3+s2], $0x4E00, $0x38;
	[tilespmem:$0x7980] =	vst v63  }
0x19: {  	s14 =	simm.s32 $0x5240  }
0x1a: {  	[tilespmem:s14+$0xFFFFFFC0] =	vst v0  }
0x1b: {  	[tilespmem:s14+$0x30] =	vst v0  }
0x1c: {  	[tilespmem:s14+$0x20] =	vst v0  }
0x1d: {  	[tilespmem:s14+$0x10] =	vst v0  }
0x1e: {  	[tilespmem:s14+$0x0] =	vst v0  }
0x1f: {  	[tilespmem:s14+$0xFFFFFFF0] =	vst v0  }
0x20: {  	s15 =	simm.s32 $0x0;
	[tilespmem:s14+$0xFFFFFFE0] =	vst v0  }
.LBB2_2:
0x21: {  	s15 =	sadd.s32 $0x8, s15;
	[tilespmem:s14+$0xFFFFFFD0] =	vst v0;
	s14 =	sadd.s32 $0x80, s14  }
0x22: {  	[tilespmem:s14+$0xFFFFFFC0] =	vst v0;
	p1 =	slt.u32 s15, $0x268  }
0x23: {  	[tilespmem:s14+$0x30] =	vst v0  }
.Ltmp2:
0x24: {  	[tilespmem:s14+$0x20] =	vst v0;
	(pc) =	sbr.rel @p1 .LBB2_2-.Ltmp2, $4  }
0x25: {  	[tilespmem:s14+$0x10] =	vst v0  }
0x26: {  	[tilespmem:s14+$0x0] =	vst v0  }
0x27: {  	[tilespmem:s14+$0xFFFFFFF0] =	vst v0  }
0x28: {  	[tilespmem:s14+$0xFFFFFFE0] =	vst v0  }
0x29: {  	[tilespmem:s14+$0xFFFFFFD0] =	vst v0  }
0x2a: {  	[tilespmem:$0x7900] =	vst v0  }
0x2b: {  	_ =	swait.ge [sflag:s7], $0x4E00  }
0x2c: {  	[sflag:s7] =	ssyncset.done $0x0  }
0x2d: {  	s14 =	simm.s32 $0xF0;
	[sflag:s7] =	ssyncadd.s32 $0xFFFFB200  }
0x2e: {  	v3 =	vld [tilespmem:s14+$0xFFFFFF90]  }
0x2f: {  	v4 =	vld [tilespmem:s14+$0x0]  }
0x30: {  	v5 =	vld [tilespmem:s14+$0xFFFFFFF0]  }
0x31: {  	v6 =	vld [tilespmem:s14+$0xFFFFFFE0]  }
0x32: {  	v7 =	vld [tilespmem:s14+$0xFFFFFFD0]  }
0x33: {  	v8 =	vld [tilespmem:s14+$0xFFFFFFC0]  }
0x34: {  	v9 =	vld [tilespmem:s14+$0xFFFFFFB0]  }
0x35: {  	v2 =	vld [tilespmem:s14+$0xFFFFFFA0]  }
0x36: {  	[tilespmem:v3+s8+$0x0] =	vst.idx.add.f32.msk $0xffff, v1  }
0x37: {  	[tilespmem:v4+s8+$0x0] =	vst.idx.add.f32.msk $0xffff, v1  }
0x38: {  	[tilespmem:v5+s8+$0x0] =	vst.idx.add.f32.msk $0xffff, v1  }
0x39: {  	[tilespmem:v6+s8+$0x0] =	vst.idx.add.f32.msk $0xffff, v1  }
0x3a: {  	[tilespmem:v7+s8+$0x0] =	vst.idx.add.f32.msk $0xffff, v1  }
0x3b: {  	[tilespmem:v8+s8+$0x0] =	vst.idx.add.f32.msk $0xffff, v1  }
0x3c: {  	s15 =	simm.s32 $0x0;
	[tilespmem:v9+s8+$0x0] =	vst.idx.add.f32.msk $0xffff, v1  }
.LBB2_4:
0x3d: {  	s15 =	sadd.s32 $0x8, s15;
	[tilespmem:v2+s8+$0x0] =	vst.idx.add.f32.msk $0xffff, v1;
	s14 =	sadd.s32 $0x100, s14  }
0x3e: {  	v3 =	vld [tilespmem:s14+$0xFFFFFF90];
	p1 =	slt.u32 s15, $0x268  }
0x3f: {  	v4 =	vld [tilespmem:s14+$0x0]  }
0x40: {  	v5 =	vld [tilespmem:s14+$0xFFFFFFF0]  }
0x41: {  	v6 =	vld [tilespmem:s14+$0xFFFFFFE0]  }
0x42: {  	v7 =	vld [tilespmem:s14+$0xFFFFFFD0]  }
0x43: {  	v8 =	vld [tilespmem:s14+$0xFFFFFFC0]  }
0x44: {  	v9 =	vld [tilespmem:s14+$0xFFFFFFB0]  }
0x45: {  	v2 =	vld [tilespmem:s14+$0xFFFFFFA0]  }
0x46: {  	[tilespmem:v3+s8+$0x0] =	vst.idx.add.f32.msk $0xffff, v1  }
0x47: {  	[tilespmem:v4+s8+$0x0] =	vst.idx.add.f32.msk $0xffff, v1  }
.Ltmp3:
0x48: {  	[tilespmem:v5+s8+$0x0] =	vst.idx.add.f32.msk $0xffff, v1;
	(pc) =	sbr.rel @p1 .LBB2_4-.Ltmp3, $4  }
0x49: {  	[tilespmem:v6+s8+$0x0] =	vst.idx.add.f32.msk $0xffff, v1  }
0x4a: {  	[tilespmem:v7+s8+$0x0] =	vst.idx.add.f32.msk $0xffff, v1  }
0x4b: {  	[tilespmem:v8+s8+$0x0] =	vst.idx.add.f32.msk $0xffff, v1  }
0x4c: {  	[tilespmem:v9+s8+$0x0] =	vst.idx.add.f32.msk $0xffff, v1  }
.Ltmp4:
0x4d: {  	_ = 	snop;
	(pc) =	sbr.rel @p0 .LBB2_9-.Ltmp4, $2  }
0x4e: {  	_ =	sdelay $0x2  }
0x4f: {  	[tilespmem:v2+s8+$0x0] =	vst.idx.add.f32.msk $0xffff, v1  }
0x50: {  	s14 =	simm.s32 $0x0  }
0x51: {  	[tilespmem:s9], [sflag:$0x2] =	stream.linear.gather [hbm4b:s4+s14], $0x400, $0x38;
	[tilespmem:$0x7980] =	vst v63  }
0x52: {  	_ =	swait.ge [sflag:s10], $0x400  }
0x53: {  	s15 =	sand.u32 $0x70, s14;
	s14 =	sand.u32 $0x300, s14;
	[sflag:s10] =	ssyncset.done $0x0  }
0x54: {  	s15 =	sor.u32 s15, s14;
	[sflag:s10] =	ssyncadd.s32 $0xFFFFFC00  }
0x55: {  	v2 =	vld [tilespmem:s15+$0x4E80];
	_ =	sdelay $0x5  }
0x56: {  	s16 =	simm.s32 $0x10;
	s14 =	simm.s32 $0x20  }
0x57: {  	s16 =	sand.u32 $0x70, s16;
	s17 =	sand.u32 $0x300, s14;
	s15 =	simm.s32 $0x20  }
.LBB2_7:
0x58: {  	p1 =	sne.s32 s15, $0x1F0;
	s16 =	sor.u32 s16, s17;
	[tilespmem:v2+s8+$0x0] =	vst.idx.add.f32.msk $0xffff, v1  }
0x59: {  	v2 =	vld [tilespmem:s16+$0x4E80];
	_ =	sdelay $0x2  }
.Ltmp5:
0x5a: {  	(pc) =	sbr.rel @p1 .LBB2_7-.Ltmp5, $3  }
0x5b: {  	_ =	sdelay $0x1  }
0x5c: {  	s14 =	sadd.s32 $0x20, s14  }
0x5d: {  	s16 =	sand.u32 $0x70, s15;
	s17 =	sand.u32 $0x300, s14;
	s15 =	sadd.s32 $0x10, s15  }
.Ltmp6:
0x5e: {  	_ = 	snop;
	(pc) =	sbr.rel .LBB2_8-.Ltmp6, $1  }
0x5f: {  	_ =	sdelay $0x3  }
.LBB2_10:
0x60: {  	_ =	sfence.sel $0x180000  }
0x61: {  	[bflag:$0x0] =	sbarrier.arrive $0xFFFF  }
0x62: {  	p0 =	sne.s32 s0, $0x0;
	_ =	strace $0x90000047  }
0x63: {  	s0 =	sadd.s32 @!p0 $0x100000, s1;
	[bflag:$0x2] =	sbarrier.arrive $0xFFFF  }
0x64: {  	[sflag:s0] =	ssyncadd.tile.s32 @!p0 $0x1;
	_ =	shalt  }
.Lfunc_end2:
_tile_overlayer_lowered:
.L_overlay_start_2:
0x65: {  	(tag) =	ssettag $0x2  }
0x66: {  	s0 =	rddreg [dreg:$0x0];
	s2 =	stileid.u32  }
0x67: {  	s1 =	rddreg [dreg:$0x1];
	p0 =	sne.s32 s2, $0x0  }
0x68: {  	s3 =	rddreg [dreg:$0x2];
	[bflag:$0x3] =	sbarrier.arrive $0xFFFF;
	s2 =	simm.s32 @!p0 $0x1C02  }
0x69: {  	[timem:s3], [sflag:s2] =	dma.local @!p0 [hbm:s0], s1  }
0x6a: {  	s0 =	simm.s32 @!p0 $0x2  }
0x6b: {  	_ =	swait.ge @!p0 [sflag:s0], s1  }
0x6c: {  	s1 =	ssub.s32 @!p0 $0x0, s1;
	[sflag:s0] =	ssyncset.done @!p0 $0x0  }
0x6d: {  	[sflag:s0] =	ssyncadd.s32 @!p0 s1  }
0x6e: {  	[bflag:$0x3] =	sbarrier.arrive $0xFFFF  }
0x6f: {  	_ =	shalt  }

</sc_bundles>
